<compile_context>
chip_gen: v7x
topology: tpu7x:2x2x1
jax: 0.10.2.dev20260603
libtpu: 0.0.44.dev20260713+nightly
codegen_flags: <defaults>
</compile_context>

<pallas_src>
import functools
import jax
import jax.numpy as jnp
from jax import lax
from jax.experimental import pallas as pl
from jax.experimental.pallas import tpu as pltpu
from jax.experimental.pallas import tpu_sc as plsc


def kernel(x, table):
    B = x.shape[0]
    T, D = table.shape
    info = plsc.get_sparse_core_info()
    NW = info.num_cores * info.num_subcores
    rows_per_w = T // NW
    CH = 56
    sizes = [56, 56, 56, 56, 32]
    offs = [0, 56, 112, 168, 224]
    nch = len(sizes)

    mesh = plsc.VectorSubcoreMesh(core_axis_name="c", subcore_axis_name="s")

    @functools.partial(
        pl.kernel,
        mesh=mesh,
        out_type=jax.ShapeDtypeStruct((B, T, D), jnp.float32),
        scratch_types=[
            pltpu.VMEM((CH, D), jnp.float32),
            pltpu.VMEM((CH, D), jnp.float32),
            pltpu.SemaphoreType.DMA,
            pltpu.SemaphoreType.DMA,
            pltpu.SemaphoreType.DMA,
            pltpu.SemaphoreType.DMA,
        ],
    )
    def k(table_hbm, out_hbm, buf0, buf1, rsem0, rsem1, wsem0, wsem1):
        wid = lax.axis_index("s") * info.num_cores + lax.axis_index("c")
        base = wid * rows_per_w
        bufs = (buf0, buf1)
        rsems = (rsem0, rsem1)
        wsems = (wsem0, wsem1)

        def rd(c, s):
            return pltpu.make_async_copy(
                table_hbm.at[pl.ds(base + offs[c], sizes[c])],
                bufs[s].at[pl.ds(0, sizes[c])],
                rsems[s],
            )

        def wr(c, s, b):
            return pltpu.make_async_copy(
                bufs[s].at[pl.ds(0, sizes[c])],
                out_hbm.at[b, pl.ds(base + offs[c], sizes[c])],
                wsems[s],
            )

        rd(0, 0).start()

        for c in range(nch):
            s = c % 2
            ns = (c + 1) % 2
            rd(c, s).wait()
            if c + 1 < nch:
                if c >= 1:
                    for b in range(B):
                        wr(c - 1, ns, b).wait()
                rd(c + 1, ns).start()
            for b in range(B):
                wr(c, s, b).start()

        for c in (nch - 2, nch - 1):
            for b in range(B):
                wr(c, c % 2, b).wait()

    return k(table)

# --- scband reference (transcript-rebuilt; emitter-appended) ---
"""Pipeline reference for scband-absolute-position-embedding-20495583936575 (READ-ONLY COPY).

The authoritative reference and input builder live on the scoring server;
editing this copy changes nothing except your own understanding.
"""

import jax, jax.numpy as jnp
import numpy as np

SEQ_LEN = 8192
EMBED_DIM = 1024

def setup_inputs(seed: int = 0) -> dict:
    key = jax.random.key(seed)
    k1, k2 = jax.random.split(key)
    x = jax.random.normal(k1, (4, 8192, 1024), dtype=jnp.float32)
    # learned embedding table, nn.Embedding default init ~ N(0,1)
    table = jax.random.normal(k2, (SEQ_LEN, EMBED_DIM), dtype=jnp.float32)
    return {"x": x, "table": table}

def reference(x, table):
    batch_size, seq_len = x.shape[0], x.shape[1]
    positions = jnp.arange(seq_len, dtype=jnp.int32)
    abs_pos = jnp.take(table, positions, axis=0)  # (T, D) gather
    out = jnp.broadcast_to(abs_pos[None, :, :], (batch_size, seq_len, table.shape[1]))
    return out

if __name__ == "__main__":
    import jax
    _d = setup_inputs()
    print(jax.jit(kernel)(*tuple(_d.values())))

</pallas_src>

<mosaic_0001>
#map = affine_map<(d0, d1) -> (0, 0)>
#map1 = affine_map<(d0, d1) -> (0, 0, 0)>
module attributes {stable_mosaic.version = 14 : i64} {
  func.func @k(%arg0: i32, %arg1: i32, %arg2: memref<8192x1024xf32, #tpu.memory_space<hbm>>, %arg3: memref<4x8192x1024xf32, #tpu.memory_space<hbm>>, %arg4: memref<56x1024xf32, #tpu.memory_space<vmem>>, %arg5: memref<56x1024xf32, #tpu.memory_space<vmem>>, %arg6: memref<!tpu.dma_semaphore, #tpu.memory_space<semaphore_mem>>, %arg7: memref<!tpu.dma_semaphore, #tpu.memory_space<semaphore_mem>>, %arg8: memref<!tpu.dma_semaphore, #tpu.memory_space<semaphore_mem>>, %arg9: memref<!tpu.dma_semaphore, #tpu.memory_space<semaphore_mem>>) attributes {dimension_semantics = [#tpu.dimension_semantics<core_parallel>, #tpu.dimension_semantics<subcore_parallel>], iteration_bounds = array<i64: 2, 16>, scalar_prefetch = 0 : i64, scratch_operands = 6 : i64, tpu.core_type = #tpu.core_type<sc_vector_subcore>, window_params = [{transform_indices = #map}, {transform_indices = #map1}]} {
    %mul3A = arith.constant 2 : i32
    %mul3A_0 = arith.muli %arg1, %mul3A : i32
    %add3A = arith.addi %mul3A_0, %arg0 : i32
    %mul3A_1 = arith.constant 256 : i32
    %mul3A_2 = arith.muli %add3A, %mul3A_1 : i32
    %add3A_3 = arith.constant 0 : i32
    %add3A_4 = arith.addi %mul3A_2, %add3A_3 : i32
    %dma_start3A = arith.constant 0 : i32
    %dma_start3A_5 = arith.constant 0 : i32
    %dma_start3A_6 = tpu.memref_slice %arg4[%dma_start3A, %dma_start3A_5] : memref<56x1024xf32, #tpu.memory_space<vmem>> -> memref<56x1024xf32, #tpu.memory_space<vmem>>
    %dma_start3A_7 = arith.constant 0 : i32
    %dma_start3A_8 = tpu.memref_slice %arg2[%add3A_4, %dma_start3A_7] : memref<8192x1024xf32, #tpu.memory_space<hbm>> -> memref<56x1024xf32, #tpu.memory_space<hbm>>
    %dma_start3A_9 = arith.constant 0 : i32
    %dma_start3A_10 = arith.constant 0 : i32
    %dma_start3A_11 = tpu.memref_slice %arg4[%dma_start3A_9, %dma_start3A_10] : memref<56x1024xf32, #tpu.memory_space<vmem>> -> memref<56x1024xf32, #tpu.memory_space<vmem>>
    %dma_start3A_12 = arith.constant 0 : i32
    %dma_start3A_13 = tpu.memref_slice %arg2[%add3A_4, %dma_start3A_12] : memref<8192x1024xf32, #tpu.memory_space<hbm>> -> memref<56x1024xf32, #tpu.memory_space<hbm>>
    tpu.enqueue_dma source(%dma_start3A_13 : memref<56x1024xf32, #tpu.memory_space<hbm>>) target(%dma_start3A_11 : memref<56x1024xf32, #tpu.memory_space<vmem>>) target_semaphore(%arg6 : memref<!tpu.dma_semaphore, #tpu.memory_space<semaphore_mem>>)
    %add3A_14 = arith.constant 0 : i32
    %add3A_15 = arith.addi %mul3A_2, %add3A_14 : i32
    %dma_wait3A = arith.constant 0 : i32
    %dma_wait3A_16 = arith.constant 0 : i32
    %dma_wait3A_17 = tpu.memref_slice %arg4[%dma_wait3A, %dma_wait3A_16] : memref<56x1024xf32, #tpu.memory_space<vmem>> -> memref<56x1024xf32, #tpu.memory_space<vmem>>
    %dma_wait3A_18 = arith.constant 0 : i32
    %dma_wait3A_19 = tpu.memref_slice %arg2[%add3A_15, %dma_wait3A_18] : memref<8192x1024xf32, #tpu.memory_space<hbm>> -> memref<56x1024xf32, #tpu.memory_space<hbm>>
    %dma_wait3A_20 = arith.constant 0 : i32
    %dma_wait3A_21 = arith.constant 0 : i32
    %dma_wait3A_22 = tpu.memref_slice %arg4[%dma_wait3A_20, %dma_wait3A_21] : memref<56x1024xf32, #tpu.memory_space<vmem>> -> memref<56x1024xf32, #tpu.memory_space<vmem>>
    %dma_wait3A_23 = arith.constant 0 : i32
    %dma_wait3A_24 = tpu.memref_slice %arg2[%add3A_15, %dma_wait3A_23] : memref<8192x1024xf32, #tpu.memory_space<hbm>> -> memref<56x1024xf32, #tpu.memory_space<hbm>>
    tpu.wait_dma2 semaphore(%arg6 : memref<!tpu.dma_semaphore, #tpu.memory_space<semaphore_mem>>) src(%dma_wait3A_24 : memref<56x1024xf32, #tpu.memory_space<hbm>>) dst(%dma_wait3A_22 : memref<56x1024xf32, #tpu.memory_space<vmem>>)
    %add3A_25 = arith.constant 56 : i32
    %add3A_26 = arith.addi %mul3A_2, %add3A_25 : i32
    %dma_start3A_27 = arith.constant 0 : i32
    %dma_start3A_28 = arith.constant 0 : i32
    %dma_start3A_29 = tpu.memref_slice %arg5[%dma_start3A_27, %dma_start3A_28] : memref<56x1024xf32, #tpu.memory_space<vmem>> -> memref<56x1024xf32, #tpu.memory_space<vmem>>
    %dma_start3A_30 = arith.constant 0 : i32
    %dma_start3A_31 = tpu.memref_slice %arg2[%add3A_26, %dma_start3A_30] : memref<8192x1024xf32, #tpu.memory_space<hbm>> -> memref<56x1024xf32, #tpu.memory_space<hbm>>
    %dma_start3A_32 = arith.constant 0 : i32
    %dma_start3A_33 = arith.constant 0 : i32
    %dma_start3A_34 = tpu.memref_slice %arg5[%dma_start3A_32, %dma_start3A_33] : memref<56x1024xf32, #tpu.memory_space<vmem>> -> memref<56x1024xf32, #tpu.memory_space<vmem>>
    %dma_start3A_35 = arith.constant 0 : i32
    %dma_start3A_36 = tpu.memref_slice %arg2[%add3A_26, %dma_start3A_35] : memref<8192x1024xf32, #tpu.memory_space<hbm>> -> memref<56x1024xf32, #tpu.memory_space<hbm>>
    tpu.enqueue_dma source(%dma_start3A_36 : memref<56x1024xf32, #tpu.memory_space<hbm>>) target(%dma_start3A_34 : memref<56x1024xf32, #tpu.memory_space<vmem>>) target_semaphore(%arg7 : memref<!tpu.dma_semaphore, #tpu.memory_space<semaphore_mem>>)
    %add3A_37 = arith.constant 0 : i32
    %add3A_38 = arith.addi %mul3A_2, %add3A_37 : i32
    %dma_start3A_39 = arith.constant 0 : i32
    %dma_start3A_40 = arith.constant 0 : i32
    %dma_start3A_41 = arith.constant 0 : i32
    %dma_start3A_42 = tpu.memref_slice %arg4[%dma_start3A_40, %dma_start3A_41] : memref<56x1024xf32, #tpu.memory_space<vmem>> -> memref<56x1024xf32, #tpu.memory_space<vmem>>
    %dma_start3A_43 = arith.constant 0 : i32
    %dma_start3A_44 = tpu.memref_slice %arg3[%dma_start3A_39, %add3A_38, %dma_start3A_43] : memref<4x8192x1024xf32, #tpu.memory_space<hbm>> -> memref<1x56x1024xf32, #tpu.memory_space<hbm>>
    %dma_start3A_45 = tpu.memref_squeeze %dma_start3A_44 : memref<1x56x1024xf32, #tpu.memory_space<hbm>> -> memref<56x1024xf32, #tpu.memory_space<hbm>>
    %dma_start3A_46 = arith.constant 0 : i32
    %dma_start3A_47 = tpu.memref_slice %arg3[%dma_start3A_39, %add3A_38, %dma_start3A_46] : memref<4x8192x1024xf32, #tpu.memory_space<hbm>> -> memref<1x56x1024xf32, #tpu.memory_space<hbm>>
    %dma_start3A_48 = tpu.memref_squeeze %dma_start3A_47 : memref<1x56x1024xf32, #tpu.memory_space<hbm>> -> memref<56x1024xf32, #tpu.memory_space<hbm>>
    %dma_start3A_49 = arith.constant 0 : i32
    %dma_start3A_50 = arith.constant 0 : i32
    %dma_start3A_51 = tpu.memref_slice %arg4[%dma_start3A_49, %dma_start3A_50] : memref<56x1024xf32, #tpu.memory_space<vmem>> -> memref<56x1024xf32, #tpu.memory_space<vmem>>
    tpu.enqueue_dma source(%dma_start3A_51 : memref<56x1024xf32, #tpu.memory_space<vmem>>) target(%dma_start3A_48 : memref<56x1024xf32, #tpu.memory_space<hbm>>) target_semaphore(%arg8 : memref<!tpu.dma_semaphore, #tpu.memory_space<semaphore_mem>>)
    %add3A_52 = arith.constant 0 : i32
    %add3A_53 = arith.addi %mul3A_2, %add3A_52 : i32
    %dma_start3A_54 = arith.constant 1 : i32
    %dma_start3A_55 = arith.constant 0 : i32
    %dma_start3A_56 = arith.constant 0 : i32
    %dma_start3A_57 = tpu.memref_slice %arg4[%dma_start3A_55, %dma_start3A_56] : memref<56x1024xf32, #tpu.memory_space<vmem>> -> memref<56x1024xf32, #tpu.memory_space<vmem>>
    %dma_start3A_58 = arith.constant 0 : i32
    %dma_start3A_59 = tpu.memref_slice %arg3[%dma_start3A_54, %add3A_53, %dma_start3A_58] : memref<4x8192x1024xf32, #tpu.memory_space<hbm>> -> memref<1x56x1024xf32, #tpu.memory_space<hbm>>
    %dma_start3A_60 = tpu.memref_squeeze %dma_start3A_59 : memref<1x56x1024xf32, #tpu.memory_space<hbm>> -> memref<56x1024xf32, #tpu.memory_space<hbm>>
    %dma_start3A_61 = arith.constant 0 : i32
    %dma_start3A_62 = tpu.memref_slice %arg3[%dma_start3A_54, %add3A_53, %dma_start3A_61] : memref<4x8192x1024xf32, #tpu.memory_space<hbm>> -> memref<1x56x1024xf32, #tpu.memory_space<hbm>>
    %dma_start3A_63 = tpu.memref_squeeze %dma_start3A_62 : memref<1x56x1024xf32, #tpu.memory_space<hbm>> -> memref<56x1024xf32, #tpu.memory_space<hbm>>
    %dma_start3A_64 = arith.constant 0 : i32
    %dma_start3A_65 = arith.constant 0 : i32
    %dma_start3A_66 = tpu.memref_slice %arg4[%dma_start3A_64, %dma_start3A_65] : memref<56x1024xf32, #tpu.memory_space<vmem>> -> memref<56x1024xf32, #tpu.memory_space<vmem>>
    tpu.enqueue_dma source(%dma_start3A_66 : memref<56x1024xf32, #tpu.memory_space<vmem>>) target(%dma_start3A_63 : memref<56x1024xf32, #tpu.memory_space<hbm>>) target_semaphore(%arg8 : memref<!tpu.dma_semaphore, #tpu.memory_space<semaphore_mem>>)
    %add3A_67 = arith.constant 0 : i32
    %add3A_68 = arith.addi %mul3A_2, %add3A_67 : i32
    %dma_start3A_69 = arith.constant 2 : i32
    %dma_start3A_70 = arith.constant 0 : i32
    %dma_start3A_71 = arith.constant 0 : i32
    %dma_start3A_72 = tpu.memref_slice %arg4[%dma_start3A_70, %dma_start3A_71] : memref<56x1024xf32, #tpu.memory_space<vmem>> -> memref<56x1024xf32, #tpu.memory_space<vmem>>
    %dma_start3A_73 = arith.constant 0 : i32
    %dma_start3A_74 = tpu.memref_slice %arg3[%dma_start3A_69, %add3A_68, %dma_start3A_73] : memref<4x8192x1024xf32, #tpu.memory_space<hbm>> -> memref<1x56x1024xf32, #tpu.memory_space<hbm>>
    %dma_start3A_75 = tpu.memref_squeeze %dma_start3A_74 : memref<1x56x1024xf32, #tpu.memory_space<hbm>> -> memref<56x1024xf32, #tpu.memory_space<hbm>>
    %dma_start3A_76 = arith.constant 0 : i32
    %dma_start3A_77 = tpu.memref_slice %arg3[%dma_start3A_69, %add3A_68, %dma_start3A_76] : memref<4x8192x1024xf32, #tpu.memory_space<hbm>> -> memref<1x56x1024xf32, #tpu.memory_space<hbm>>
    %dma_start3A_78 = tpu.memref_squeeze %dma_start3A_77 : memref<1x56x1024xf32, #tpu.memory_space<hbm>> -> memref<56x1024xf32, #tpu.memory_space<hbm>>
    %dma_start3A_79 = arith.constant 0 : i32
    %dma_start3A_80 = arith.constant 0 : i32
    %dma_start3A_81 = tpu.memref_slice %arg4[%dma_start3A_79, %dma_start3A_80] : memref<56x1024xf32, #tpu.memory_space<vmem>> -> memref<56x1024xf32, #tpu.memory_space<vmem>>
    tpu.enqueue_dma source(%dma_start3A_81 : memref<56x1024xf32, #tpu.memory_space<vmem>>) target(%dma_start3A_78 : memref<56x1024xf32, #tpu.memory_space<hbm>>) target_semaphore(%arg8 : memref<!tpu.dma_semaphore, #tpu.memory_space<semaphore_mem>>)
    %add3A_82 = arith.constant 0 : i32
    %add3A_83 = arith.addi %mul3A_2, %add3A_82 : i32
    %dma_start3A_84 = arith.constant 3 : i32
    %dma_start3A_85 = arith.constant 0 : i32
    %dma_start3A_86 = arith.constant 0 : i32
    %dma_start3A_87 = tpu.memref_slice %arg4[%dma_start3A_85, %dma_start3A_86] : memref<56x1024xf32, #tpu.memory_space<vmem>> -> memref<56x1024xf32, #tpu.memory_space<vmem>>
    %dma_start3A_88 = arith.constant 0 : i32
    %dma_start3A_89 = tpu.memref_slice %arg3[%dma_start3A_84, %add3A_83, %dma_start3A_88] : memref<4x8192x1024xf32, #tpu.memory_space<hbm>> -> memref<1x56x1024xf32, #tpu.memory_space<hbm>>
    %dma_start3A_90 = tpu.memref_squeeze %dma_start3A_89 : memref<1x56x1024xf32, #tpu.memory_space<hbm>> -> memref<56x1024xf32, #tpu.memory_space<hbm>>
    %dma_start3A_91 = arith.constant 0 : i32
    %dma_start3A_92 = tpu.memref_slice %arg3[%dma_start3A_84, %add3A_83, %dma_start3A_91] : memref<4x8192x1024xf32, #tpu.memory_space<hbm>> -> memref<1x56x1024xf32, #tpu.memory_space<hbm>>
    %dma_start3A_93 = tpu.memref_squeeze %dma_start3A_92 : memref<1x56x1024xf32, #tpu.memory_space<hbm>> -> memref<56x1024xf32, #tpu.memory_space<hbm>>
    %dma_start3A_94 = arith.constant 0 : i32
    %dma_start3A_95 = arith.constant 0 : i32
    %dma_start3A_96 = tpu.memref_slice %arg4[%dma_start3A_94, %dma_start3A_95] : memref<56x1024xf32, #tpu.memory_space<vmem>> -> memref<56x1024xf32, #tpu.memory_space<vmem>>
    tpu.enqueue_dma source(%dma_start3A_96 : memref<56x1024xf32, #tpu.memory_space<vmem>>) target(%dma_start3A_93 : memref<56x1024xf32, #tpu.memory_space<hbm>>) target_semaphore(%arg8 : memref<!tpu.dma_semaphore, #tpu.memory_space<semaphore_mem>>)
    %add3A_97 = arith.constant 56 : i32
    %add3A_98 = arith.addi %mul3A_2, %add3A_97 : i32
    %dma_wait3A_99 = arith.constant 0 : i32
    %dma_wait3A_100 = arith.constant 0 : i32
    %dma_wait3A_101 = tpu.memref_slice %arg5[%dma_wait3A_99, %dma_wait3A_100] : memref<56x1024xf32, #tpu.memory_space<vmem>> -> memref<56x1024xf32, #tpu.memory_space<vmem>>
    %dma_wait3A_102 = arith.constant 0 : i32
    %dma_wait3A_103 = tpu.memref_slice %arg2[%add3A_98, %dma_wait3A_102] : memref<8192x1024xf32, #tpu.memory_space<hbm>> -> memref<56x1024xf32, #tpu.memory_space<hbm>>
    %dma_wait3A_104 = arith.constant 0 : i32
    %dma_wait3A_105 = arith.constant 0 : i32
    %dma_wait3A_106 = tpu.memref_slice %arg5[%dma_wait3A_104, %dma_wait3A_105] : memref<56x1024xf32, #tpu.memory_space<vmem>> -> memref<56x1024xf32, #tpu.memory_space<vmem>>
    %dma_wait3A_107 = arith.constant 0 : i32
    %dma_wait3A_108 = tpu.memref_slice %arg2[%add3A_98, %dma_wait3A_107] : memref<8192x1024xf32, #tpu.memory_space<hbm>> -> memref<56x1024xf32, #tpu.memory_space<hbm>>
    tpu.wait_dma2 semaphore(%arg7 : memref<!tpu.dma_semaphore, #tpu.memory_space<semaphore_mem>>) src(%dma_wait3A_108 : memref<56x1024xf32, #tpu.memory_space<hbm>>) dst(%dma_wait3A_106 : memref<56x1024xf32, #tpu.memory_space<vmem>>)
    %add3A_109 = arith.constant 0 : i32
    %add3A_110 = arith.addi %mul3A_2, %add3A_109 : i32
    %dma_wait3A_111 = arith.constant 0 : i32
    %dma_wait3A_112 = arith.constant 0 : i32
    %dma_wait3A_113 = arith.constant 0 : i32
    %dma_wait3A_114 = tpu.memref_slice %arg4[%dma_wait3A_112, %dma_wait3A_113] : memref<56x1024xf32, #tpu.memory_space<vmem>> -> memref<56x1024xf32, #tpu.memory_space<vmem>>
    %dma_wait3A_115 = arith.constant 0 : i32
    %dma_wait3A_116 = tpu.memref_slice %arg3[%dma_wait3A_111, %add3A_110, %dma_wait3A_115] : memref<4x8192x1024xf32, #tpu.memory_space<hbm>> -> memref<1x56x1024xf32, #tpu.memory_space<hbm>>
    %dma_wait3A_117 = tpu.memref_squeeze %dma_wait3A_116 : memref<1x56x1024xf32, #tpu.memory_space<hbm>> -> memref<56x1024xf32, #tpu.memory_space<hbm>>
    %dma_wait3A_118 = arith.constant 0 : i32
    %dma_wait3A_119 = tpu.memref_slice %arg3[%dma_wait3A_111, %add3A_110, %dma_wait3A_118] : memref<4x8192x1024xf32, #tpu.memory_space<hbm>> -> memref<1x56x1024xf32, #tpu.memory_space<hbm>>
    %dma_wait3A_120 = tpu.memref_squeeze %dma_wait3A_119 : memref<1x56x1024xf32, #tpu.memory_space<hbm>> -> memref<56x1024xf32, #tpu.memory_space<hbm>>
    %dma_wait3A_121 = arith.constant 0 : i32
    %dma_wait3A_122 = arith.constant 0 : i32
    %dma_wait3A_123 = tpu.memref_slice %arg4[%dma_wait3A_121, %dma_wait3A_122] : memref<56x1024xf32, #tpu.memory_space<vmem>> -> memref<56x1024xf32, #tpu.memory_space<vmem>>
    tpu.wait_dma2 semaphore(%arg8 : memref<!tpu.dma_semaphore, #tpu.memory_space<semaphore_mem>>) src(%dma_wait3A_123 : memref<56x1024xf32, #tpu.memory_space<vmem>>) dst(%dma_wait3A_120 : memref<56x1024xf32, #tpu.memory_space<hbm>>)
    %add3A_124 = arith.constant 0 : i32
    %add3A_125 = arith.addi %mul3A_2, %add3A_124 : i32
    %dma_wait3A_126 = arith.constant 1 : i32
    %dma_wait3A_127 = arith.constant 0 : i32
    %dma_wait3A_128 = arith.constant 0 : i32
    %dma_wait3A_129 = tpu.memref_slice %arg4[%dma_wait3A_127, %dma_wait3A_128] : memref<56x1024xf32, #tpu.memory_space<vmem>> -> memref<56x1024xf32, #tpu.memory_space<vmem>>
    %dma_wait3A_130 = arith.constant 0 : i32
    %dma_wait3A_131 = tpu.memref_slice %arg3[%dma_wait3A_126, %add3A_125, %dma_wait3A_130] : memref<4x8192x1024xf32, #tpu.memory_space<hbm>> -> memref<1x56x1024xf32, #tpu.memory_space<hbm>>
    %dma_wait3A_132 = tpu.memref_squeeze %dma_wait3A_131 : memref<1x56x1024xf32, #tpu.memory_space<hbm>> -> memref<56x1024xf32, #tpu.memory_space<hbm>>
    %dma_wait3A_133 = arith.constant 0 : i32
    %dma_wait3A_134 = tpu.memref_slice %arg3[%dma_wait3A_126, %add3A_125, %dma_wait3A_133] : memref<4x8192x1024xf32, #tpu.memory_space<hbm>> -> memref<1x56x1024xf32, #tpu.memory_space<hbm>>
    %dma_wait3A_135 = tpu.memref_squeeze %dma_wait3A_134 : memref<1x56x1024xf32, #tpu.memory_space<hbm>> -> memref<56x1024xf32, #tpu.memory_space<hbm>>
    %dma_wait3A_136 = arith.constant 0 : i32
    %dma_wait3A_137 = arith.constant 0 : i32
    %dma_wait3A_138 = tpu.memref_slice %arg4[%dma_wait3A_136, %dma_wait3A_137] : memref<56x1024xf32, #tpu.memory_space<vmem>> -> memref<56x1024xf32, #tpu.memory_space<vmem>>
    tpu.wait_dma2 semaphore(%arg8 : memref<!tpu.dma_semaphore, #tpu.memory_space<semaphore_mem>>) src(%dma_wait3A_138 : memref<56x1024xf32, #tpu.memory_space<vmem>>) dst(%dma_wait3A_135 : memref<56x1024xf32, #tpu.memory_space<hbm>>)
    %add3A_139 = arith.constant 0 : i32
    %add3A_140 = arith.addi %mul3A_2, %add3A_139 : i32
    %dma_wait3A_141 = arith.constant 2 : i32
    %dma_wait3A_142 = arith.constant 0 : i32
    %dma_wait3A_143 = arith.constant 0 : i32
    %dma_wait3A_144 = tpu.memref_slice %arg4[%dma_wait3A_142, %dma_wait3A_143] : memref<56x1024xf32, #tpu.memory_space<vmem>> -> memref<56x1024xf32, #tpu.memory_space<vmem>>
    %dma_wait3A_145 = arith.constant 0 : i32
    %dma_wait3A_146 = tpu.memref_slice %arg3[%dma_wait3A_141, %add3A_140, %dma_wait3A_145] : memref<4x8192x1024xf32, #tpu.memory_space<hbm>> -> memref<1x56x1024xf32, #tpu.memory_space<hbm>>
    %dma_wait3A_147 = tpu.memref_squeeze %dma_wait3A_146 : memref<1x56x1024xf32, #tpu.memory_space<hbm>> -> memref<56x1024xf32, #tpu.memory_space<hbm>>
    %dma_wait3A_148 = arith.constant 0 : i32
    %dma_wait3A_149 = tpu.memref_slice %arg3[%dma_wait3A_141, %add3A_140, %dma_wait3A_148] : memref<4x8192x1024xf32, #tpu.memory_space<hbm>> -> memref<1x56x1024xf32, #tpu.memory_space<hbm>>
    %dma_wait3A_150 = tpu.memref_squeeze %dma_wait3A_149 : memref<1x56x1024xf32, #tpu.memory_space<hbm>> -> memref<56x1024xf32, #tpu.memory_space<hbm>>
    %dma_wait3A_151 = arith.constant 0 : i32
    %dma_wait3A_152 = arith.constant 0 : i32
    %dma_wait3A_153 = tpu.memref_slice %arg4[%dma_wait3A_151, %dma_wait3A_152] : memref<56x1024xf32, #tpu.memory_space<vmem>> -> memref<56x1024xf32, #tpu.memory_space<vmem>>
    tpu.wait_dma2 semaphore(%arg8 : memref<!tpu.dma_semaphore, #tpu.memory_space<semaphore_mem>>) src(%dma_wait3A_153 : memref<56x1024xf32, #tpu.memory_space<vmem>>) dst(%dma_wait3A_150 : memref<56x1024xf32, #tpu.memory_space<hbm>>)
    %add3A_154 = arith.constant 0 : i32
    %add3A_155 = arith.addi %mul3A_2, %add3A_154 : i32
    %dma_wait3A_156 = arith.constant 3 : i32
    %dma_wait3A_157 = arith.constant 0 : i32
    %dma_wait3A_158 = arith.constant 0 : i32
    %dma_wait3A_159 = tpu.memref_slice %arg4[%dma_wait3A_157, %dma_wait3A_158] : memref<56x1024xf32, #tpu.memory_space<vmem>> -> memref<56x1024xf32, #tpu.memory_space<vmem>>
    %dma_wait3A_160 = arith.constant 0 : i32
    %dma_wait3A_161 = tpu.memref_slice %arg3[%dma_wait3A_156, %add3A_155, %dma_wait3A_160] : memref<4x8192x1024xf32, #tpu.memory_space<hbm>> -> memref<1x56x1024xf32, #tpu.memory_space<hbm>>
    %dma_wait3A_162 = tpu.memref_squeeze %dma_wait3A_161 : memref<1x56x1024xf32, #tpu.memory_space<hbm>> -> memref<56x1024xf32, #tpu.memory_space<hbm>>
    %dma_wait3A_163 = arith.constant 0 : i32
    %dma_wait3A_164 = tpu.memref_slice %arg3[%dma_wait3A_156, %add3A_155, %dma_wait3A_163] : memref<4x8192x1024xf32, #tpu.memory_space<hbm>> -> memref<1x56x1024xf32, #tpu.memory_space<hbm>>
    %dma_wait3A_165 = tpu.memref_squeeze %dma_wait3A_164 : memref<1x56x1024xf32, #tpu.memory_space<hbm>> -> memref<56x1024xf32, #tpu.memory_space<hbm>>
    %dma_wait3A_166 = arith.constant 0 : i32
    %dma_wait3A_167 = arith.constant 0 : i32
    %dma_wait3A_168 = tpu.memref_slice %arg4[%dma_wait3A_166, %dma_wait3A_167] : memref<56x1024xf32, #tpu.memory_space<vmem>> -> memref<56x1024xf32, #tpu.memory_space<vmem>>
    tpu.wait_dma2 semaphore(%arg8 : memref<!tpu.dma_semaphore, #tpu.memory_space<semaphore_mem>>) src(%dma_wait3A_168 : memref<56x1024xf32, #tpu.memory_space<vmem>>) dst(%dma_wait3A_165 : memref<56x1024xf32, #tpu.memory_space<hbm>>)
    %add3A_169 = arith.constant 112 : i32
    %add3A_170 = arith.addi %mul3A_2, %add3A_169 : i32
    %dma_start3A_171 = arith.constant 0 : i32
    %dma_start3A_172 = arith.constant 0 : i32
    %dma_start3A_173 = tpu.memref_slice %arg4[%dma_start3A_171, %dma_start3A_172] : memref<56x1024xf32, #tpu.memory_space<vmem>> -> memref<56x1024xf32, #tpu.memory_space<vmem>>
    %dma_start3A_174 = arith.constant 0 : i32
    %dma_start3A_175 = tpu.memref_slice %arg2[%add3A_170, %dma_start3A_174] : memref<8192x1024xf32, #tpu.memory_space<hbm>> -> memref<56x1024xf32, #tpu.memory_space<hbm>>
    %dma_start3A_176 = arith.constant 0 : i32
    %dma_start3A_177 = arith.constant 0 : i32
    %dma_start3A_178 = tpu.memref_slice %arg4[%dma_start3A_176, %dma_start3A_177] : memref<56x1024xf32, #tpu.memory_space<vmem>> -> memref<56x1024xf32, #tpu.memory_space<vmem>>
    %dma_start3A_179 = arith.constant 0 : i32
    %dma_start3A_180 = tpu.memref_slice %arg2[%add3A_170, %dma_start3A_179] : memref<8192x1024xf32, #tpu.memory_space<hbm>> -> memref<56x1024xf32, #tpu.memory_space<hbm>>
    tpu.enqueue_dma source(%dma_start3A_180 : memref<56x1024xf32, #tpu.memory_space<hbm>>) target(%dma_start3A_178 : memref<56x1024xf32, #tpu.memory_space<vmem>>) target_semaphore(%arg6 : memref<!tpu.dma_semaphore, #tpu.memory_space<semaphore_mem>>)
    %add3A_181 = arith.constant 56 : i32
    %add3A_182 = arith.addi %mul3A_2, %add3A_181 : i32
    %dma_start3A_183 = arith.constant 0 : i32
    %dma_start3A_184 = arith.constant 0 : i32
    %dma_start3A_185 = arith.constant 0 : i32
    %dma_start3A_186 = tpu.memref_slice %arg5[%dma_start3A_184, %dma_start3A_185] : memref<56x1024xf32, #tpu.memory_space<vmem>> -> memref<56x1024xf32, #tpu.memory_space<vmem>>
    %dma_start3A_187 = arith.constant 0 : i32
    %dma_start3A_188 = tpu.memref_slice %arg3[%dma_start3A_183, %add3A_182, %dma_start3A_187] : memref<4x8192x1024xf32, #tpu.memory_space<hbm>> -> memref<1x56x1024xf32, #tpu.memory_space<hbm>>
    %dma_start3A_189 = tpu.memref_squeeze %dma_start3A_188 : memref<1x56x1024xf32, #tpu.memory_space<hbm>> -> memref<56x1024xf32, #tpu.memory_space<hbm>>
    %dma_start3A_190 = arith.constant 0 : i32
    %dma_start3A_191 = tpu.memref_slice %arg3[%dma_start3A_183, %add3A_182, %dma_start3A_190] : memref<4x8192x1024xf32, #tpu.memory_space<hbm>> -> memref<1x56x1024xf32, #tpu.memory_space<hbm>>
    %dma_start3A_192 = tpu.memref_squeeze %dma_start3A_191 : memref<1x56x1024xf32, #tpu.memory_space<hbm>> -> memref<56x1024xf32, #tpu.memory_space<hbm>>
    %dma_start3A_193 = arith.constant 0 : i32
    %dma_start3A_194 = arith.constant 0 : i32
    %dma_start3A_195 = tpu.memref_slice %arg5[%dma_start3A_193, %dma_start3A_194] : memref<56x1024xf32, #tpu.memory_space<vmem>> -> memref<56x1024xf32, #tpu.memory_space<vmem>>
    tpu.enqueue_dma source(%dma_start3A_195 : memref<56x1024xf32, #tpu.memory_space<vmem>>) target(%dma_start3A_192 : memref<56x1024xf32, #tpu.memory_space<hbm>>) target_semaphore(%arg9 : memref<!tpu.dma_semaphore, #tpu.memory_space<semaphore_mem>>)
    %add3A_196 = arith.constant 56 : i32
    %add3A_197 = arith.addi %mul3A_2, %add3A_196 : i32
    %dma_start3A_198 = arith.constant 1 : i32
    %dma_start3A_199 = arith.constant 0 : i32
    %dma_start3A_200 = arith.constant 0 : i32
    %dma_start3A_201 = tpu.memref_slice %arg5[%dma_start3A_199, %dma_start3A_200] : memref<56x1024xf32, #tpu.memory_space<vmem>> -> memref<56x1024xf32, #tpu.memory_space<vmem>>
    %dma_start3A_202 = arith.constant 0 : i32
    %dma_start3A_203 = tpu.memref_slice %arg3[%dma_start3A_198, %add3A_197, %dma_start3A_202] : memref<4x8192x1024xf32, #tpu.memory_space<hbm>> -> memref<1x56x1024xf32, #tpu.memory_space<hbm>>
    %dma_start3A_204 = tpu.memref_squeeze %dma_start3A_203 : memref<1x56x1024xf32, #tpu.memory_space<hbm>> -> memref<56x1024xf32, #tpu.memory_space<hbm>>
    %dma_start3A_205 = arith.constant 0 : i32
    %dma_start3A_206 = tpu.memref_slice %arg3[%dma_start3A_198, %add3A_197, %dma_start3A_205] : memref<4x8192x1024xf32, #tpu.memory_space<hbm>> -> memref<1x56x1024xf32, #tpu.memory_space<hbm>>
    %dma_start3A_207 = tpu.memref_squeeze %dma_start3A_206 : memref<1x56x1024xf32, #tpu.memory_space<hbm>> -> memref<56x1024xf32, #tpu.memory_space<hbm>>
    %dma_start3A_208 = arith.constant 0 : i32
    %dma_start3A_209 = arith.constant 0 : i32
    %dma_start3A_210 = tpu.memref_slice %arg5[%dma_start3A_208, %dma_start3A_209] : memref<56x1024xf32, #tpu.memory_space<vmem>> -> memref<56x1024xf32, #tpu.memory_space<vmem>>
    tpu.enqueue_dma source(%dma_start3A_210 : memref<56x1024xf32, #tpu.memory_space<vmem>>) target(%dma_start3A_207 : memref<56x1024xf32, #tpu.memory_space<hbm>>) target_semaphore(%arg9 : memref<!tpu.dma_semaphore, #tpu.memory_space<semaphore_mem>>)
    %add3A_211 = arith.constant 56 : i32
    %add3A_212 = arith.addi %mul3A_2, %add3A_211 : i32
    %dma_start3A_213 = arith.constant 2 : i32
    %dma_start3A_214 = arith.constant 0 : i32
    %dma_start3A_215 = arith.constant 0 : i32
    %dma_start3A_216 = tpu.memref_slice %arg5[%dma_start3A_214, %dma_start3A_215] : memref<56x1024xf32, #tpu.memory_space<vmem>> -> memref<56x1024xf32, #tpu.memory_space<vmem>>
    %dma_start3A_217 = arith.constant 0 : i32
    %dma_start3A_218 = tpu.memref_slice %arg3[%dma_start3A_213, %add3A_212, %dma_start3A_217] : memref<4x8192x1024xf32, #tpu.memory_space<hbm>> -> memref<1x56x1024xf32, #tpu.memory_space<hbm>>
    %dma_start3A_219 = tpu.memref_squeeze %dma_start3A_218 : memref<1x56x1024xf32, #tpu.memory_space<hbm>> -> memref<56x1024xf32, #tpu.memory_space<hbm>>
    %dma_start3A_220 = arith.constant 0 : i32
    %dma_start3A_221 = tpu.memref_slice %arg3[%dma_start3A_213, %add3A_212, %dma_start3A_220] : memref<4x8192x1024xf32, #tpu.memory_space<hbm>> -> memref<1x56x1024xf32, #tpu.memory_space<hbm>>
    %dma_start3A_222 = tpu.memref_squeeze %dma_start3A_221 : memref<1x56x1024xf32, #tpu.memory_space<hbm>> -> memref<56x1024xf32, #tpu.memory_space<hbm>>
    %dma_start3A_223 = arith.constant 0 : i32
    %dma_start3A_224 = arith.constant 0 : i32
    %dma_start3A_225 = tpu.memref_slice %arg5[%dma_start3A_223, %dma_start3A_224] : memref<56x1024xf32, #tpu.memory_space<vmem>> -> memref<56x1024xf32, #tpu.memory_space<vmem>>
    tpu.enqueue_dma source(%dma_start3A_225 : memref<56x1024xf32, #tpu.memory_space<vmem>>) target(%dma_start3A_222 : memref<56x1024xf32, #tpu.memory_space<hbm>>) target_semaphore(%arg9 : memref<!tpu.dma_semaphore, #tpu.memory_space<semaphore_mem>>)
    %add3A_226 = arith.constant 56 : i32
    %add3A_227 = arith.addi %mul3A_2, %add3A_226 : i32
    %dma_start3A_228 = arith.constant 3 : i32
    %dma_start3A_229 = arith.constant 0 : i32
    %dma_start3A_230 = arith.constant 0 : i32
    %dma_start3A_231 = tpu.memref_slice %arg5[%dma_start3A_229, %dma_start3A_230] : memref<56x1024xf32, #tpu.memory_space<vmem>> -> memref<56x1024xf32, #tpu.memory_space<vmem>>
    %dma_start3A_232 = arith.constant 0 : i32
    %dma_start3A_233 = tpu.memref_slice %arg3[%dma_start3A_228, %add3A_227, %dma_start3A_232] : memref<4x8192x1024xf32, #tpu.memory_space<hbm>> -> memref<1x56x1024xf32, #tpu.memory_space<hbm>>
    %dma_start3A_234 = tpu.memref_squeeze %dma_start3A_233 : memref<1x56x1024xf32, #tpu.memory_space<hbm>> -> memref<56x1024xf32, #tpu.memory_space<hbm>>
    %dma_start3A_235 = arith.constant 0 : i32
    %dma_start3A_236 = tpu.memref_slice %arg3[%dma_start3A_228, %add3A_227, %dma_start3A_235] : memref<4x8192x1024xf32, #tpu.memory_space<hbm>> -> memref<1x56x1024xf32, #tpu.memory_space<hbm>>
    %dma_start3A_237 = tpu.memref_squeeze %dma_start3A_236 : memref<1x56x1024xf32, #tpu.memory_space<hbm>> -> memref<56x1024xf32, #tpu.memory_space<hbm>>
    %dma_start3A_238 = arith.constant 0 : i32
    %dma_start3A_239 = arith.constant 0 : i32
    %dma_start3A_240 = tpu.memref_slice %arg5[%dma_start3A_238, %dma_start3A_239] : memref<56x1024xf32, #tpu.memory_space<vmem>> -> memref<56x1024xf32, #tpu.memory_space<vmem>>
    tpu.enqueue_dma source(%dma_start3A_240 : memref<56x1024xf32, #tpu.memory_space<vmem>>) target(%dma_start3A_237 : memref<56x1024xf32, #tpu.memory_space<hbm>>) target_semaphore(%arg9 : memref<!tpu.dma_semaphore, #tpu.memory_space<semaphore_mem>>)
    %add3A_241 = arith.constant 112 : i32
    %add3A_242 = arith.addi %mul3A_2, %add3A_241 : i32
    %dma_wait3A_243 = arith.constant 0 : i32
    %dma_wait3A_244 = arith.constant 0 : i32
    %dma_wait3A_245 = tpu.memref_slice %arg4[%dma_wait3A_243, %dma_wait3A_244] : memref<56x1024xf32, #tpu.memory_space<vmem>> -> memref<56x1024xf32, #tpu.memory_space<vmem>>
    %dma_wait3A_246 = arith.constant 0 : i32
    %dma_wait3A_247 = tpu.memref_slice %arg2[%add3A_242, %dma_wait3A_246] : memref<8192x1024xf32, #tpu.memory_space<hbm>> -> memref<56x1024xf32, #tpu.memory_space<hbm>>
    %dma_wait3A_248 = arith.constant 0 : i32
    %dma_wait3A_249 = arith.constant 0 : i32
    %dma_wait3A_250 = tpu.memref_slice %arg4[%dma_wait3A_248, %dma_wait3A_249] : memref<56x1024xf32, #tpu.memory_space<vmem>> -> memref<56x1024xf32, #tpu.memory_space<vmem>>
    %dma_wait3A_251 = arith.constant 0 : i32
    %dma_wait3A_252 = tpu.memref_slice %arg2[%add3A_242, %dma_wait3A_251] : memref<8192x1024xf32, #tpu.memory_space<hbm>> -> memref<56x1024xf32, #tpu.memory_space<hbm>>
    tpu.wait_dma2 semaphore(%arg6 : memref<!tpu.dma_semaphore, #tpu.memory_space<semaphore_mem>>) src(%dma_wait3A_252 : memref<56x1024xf32, #tpu.memory_space<hbm>>) dst(%dma_wait3A_250 : memref<56x1024xf32, #tpu.memory_space<vmem>>)
    %add3A_253 = arith.constant 56 : i32
    %add3A_254 = arith.addi %mul3A_2, %add3A_253 : i32
    %dma_wait3A_255 = arith.constant 0 : i32
    %dma_wait3A_256 = arith.constant 0 : i32
    %dma_wait3A_257 = arith.constant 0 : i32
    %dma_wait3A_258 = tpu.memref_slice %arg5[%dma_wait3A_256, %dma_wait3A_257] : memref<56x1024xf32, #tpu.memory_space<vmem>> -> memref<56x1024xf32, #tpu.memory_space<vmem>>
    %dma_wait3A_259 = arith.constant 0 : i32
    %dma_wait3A_260 = tpu.memref_slice %arg3[%dma_wait3A_255, %add3A_254, %dma_wait3A_259] : memref<4x8192x1024xf32, #tpu.memory_space<hbm>> -> memref<1x56x1024xf32, #tpu.memory_space<hbm>>
    %dma_wait3A_261 = tpu.memref_squeeze %dma_wait3A_260 : memref<1x56x1024xf32, #tpu.memory_space<hbm>> -> memref<56x1024xf32, #tpu.memory_space<hbm>>
    %dma_wait3A_262 = arith.constant 0 : i32
    %dma_wait3A_263 = tpu.memref_slice %arg3[%dma_wait3A_255, %add3A_254, %dma_wait3A_262] : memref<4x8192x1024xf32, #tpu.memory_space<hbm>> -> memref<1x56x1024xf32, #tpu.memory_space<hbm>>
    %dma_wait3A_264 = tpu.memref_squeeze %dma_wait3A_263 : memref<1x56x1024xf32, #tpu.memory_space<hbm>> -> memref<56x1024xf32, #tpu.memory_space<hbm>>
    %dma_wait3A_265 = arith.constant 0 : i32
    %dma_wait3A_266 = arith.constant 0 : i32
    %dma_wait3A_267 = tpu.memref_slice %arg5[%dma_wait3A_265, %dma_wait3A_266] : memref<56x1024xf32, #tpu.memory_space<vmem>> -> memref<56x1024xf32, #tpu.memory_space<vmem>>
    tpu.wait_dma2 semaphore(%arg9 : memref<!tpu.dma_semaphore, #tpu.memory_space<semaphore_mem>>) src(%dma_wait3A_267 : memref<56x1024xf32, #tpu.memory_space<vmem>>) dst(%dma_wait3A_264 : memref<56x1024xf32, #tpu.memory_space<hbm>>)
    %add3A_268 = arith.constant 56 : i32
    %add3A_269 = arith.addi %mul3A_2, %add3A_268 : i32
    %dma_wait3A_270 = arith.constant 1 : i32
    %dma_wait3A_271 = arith.constant 0 : i32
    %dma_wait3A_272 = arith.constant 0 : i32
    %dma_wait3A_273 = tpu.memref_slice %arg5[%dma_wait3A_271, %dma_wait3A_272] : memref<56x1024xf32, #tpu.memory_space<vmem>> -> memref<56x1024xf32, #tpu.memory_space<vmem>>
    %dma_wait3A_274 = arith.constant 0 : i32
    %dma_wait3A_275 = tpu.memref_slice %arg3[%dma_wait3A_270, %add3A_269, %dma_wait3A_274] : memref<4x8192x1024xf32, #tpu.memory_space<hbm>> -> memref<1x56x1024xf32, #tpu.memory_space<hbm>>
    %dma_wait3A_276 = tpu.memref_squeeze %dma_wait3A_275 : memref<1x56x1024xf32, #tpu.memory_space<hbm>> -> memref<56x1024xf32, #tpu.memory_space<hbm>>
    %dma_wait3A_277 = arith.constant 0 : i32
    %dma_wait3A_278 = tpu.memref_slice %arg3[%dma_wait3A_270, %add3A_269, %dma_wait3A_277] : memref<4x8192x1024xf32, #tpu.memory_space<hbm>> -> memref<1x56x1024xf32, #tpu.memory_space<hbm>>
    %dma_wait3A_279 = tpu.memref_squeeze %dma_wait3A_278 : memref<1x56x1024xf32, #tpu.memory_space<hbm>> -> memref<56x1024xf32, #tpu.memory_space<hbm>>
    %dma_wait3A_280 = arith.constant 0 : i32
    %dma_wait3A_281 = arith.constant 0 : i32
    %dma_wait3A_282 = tpu.memref_slice %arg5[%dma_wait3A_280, %dma_wait3A_281] : memref<56x1024xf32, #tpu.memory_space<vmem>> -> memref<56x1024xf32, #tpu.memory_space<vmem>>
    tpu.wait_dma2 semaphore(%arg9 : memref<!tpu.dma_semaphore, #tpu.memory_space<semaphore_mem>>) src(%dma_wait3A_282 : memref<56x1024xf32, #tpu.memory_space<vmem>>) dst(%dma_wait3A_279 : memref<56x1024xf32, #tpu.memory_space<hbm>>)
    %add3A_283 = arith.constant 56 : i32
    %add3A_284 = arith.addi %mul3A_2, %add3A_283 : i32
    %dma_wait3A_285 = arith.constant 2 : i32
    %dma_wait3A_286 = arith.constant 0 : i32
    %dma_wait3A_287 = arith.constant 0 : i32
    %dma_wait3A_288 = tpu.memref_slice %arg5[%dma_wait3A_286, %dma_wait3A_287] : memref<56x1024xf32, #tpu.memory_space<vmem>> -> memref<56x1024xf32, #tpu.memory_space<vmem>>
    %dma_wait3A_289 = arith.constant 0 : i32
    %dma_wait3A_290 = tpu.memref_slice %arg3[%dma_wait3A_285, %add3A_284, %dma_wait3A_289] : memref<4x8192x1024xf32, #tpu.memory_space<hbm>> -> memref<1x56x1024xf32, #tpu.memory_space<hbm>>
    %dma_wait3A_291 = tpu.memref_squeeze %dma_wait3A_290 : memref<1x56x1024xf32, #tpu.memory_space<hbm>> -> memref<56x1024xf32, #tpu.memory_space<hbm>>
    %dma_wait3A_292 = arith.constant 0 : i32
    %dma_wait3A_293 = tpu.memref_slice %arg3[%dma_wait3A_285, %add3A_284, %dma_wait3A_292] : memref<4x8192x1024xf32, #tpu.memory_space<hbm>> -> memref<1x56x1024xf32, #tpu.memory_space<hbm>>
    %dma_wait3A_294 = tpu.memref_squeeze %dma_wait3A_293 : memref<1x56x1024xf32, #tpu.memory_space<hbm>> -> memref<56x1024xf32, #tpu.memory_space<hbm>>
    %dma_wait3A_295 = arith.constant 0 : i32
    %dma_wait3A_296 = arith.constant 0 : i32
    %dma_wait3A_297 = tpu.memref_slice %arg5[%dma_wait3A_295, %dma_wait3A_296] : memref<56x1024xf32, #tpu.memory_space<vmem>> -> memref<56x1024xf32, #tpu.memory_space<vmem>>
    tpu.wait_dma2 semaphore(%arg9 : memref<!tpu.dma_semaphore, #tpu.memory_space<semaphore_mem>>) src(%dma_wait3A_297 : memref<56x1024xf32, #tpu.memory_space<vmem>>) dst(%dma_wait3A_294 : memref<56x1024xf32, #tpu.memory_space<hbm>>)
    %add3A_298 = arith.constant 56 : i32
    %add3A_299 = arith.addi %mul3A_2, %add3A_298 : i32
    %dma_wait3A_300 = arith.constant 3 : i32
    %dma_wait3A_301 = arith.constant 0 : i32
    %dma_wait3A_302 = arith.constant 0 : i32
    %dma_wait3A_303 = tpu.memref_slice %arg5[%dma_wait3A_301, %dma_wait3A_302] : memref<56x1024xf32, #tpu.memory_space<vmem>> -> memref<56x1024xf32, #tpu.memory_space<vmem>>
    %dma_wait3A_304 = arith.constant 0 : i32
    %dma_wait3A_305 = tpu.memref_slice %arg3[%dma_wait3A_300, %add3A_299, %dma_wait3A_304] : memref<4x8192x1024xf32, #tpu.memory_space<hbm>> -> memref<1x56x1024xf32, #tpu.memory_space<hbm>>
    %dma_wait3A_306 = tpu.memref_squeeze %dma_wait3A_305 : memref<1x56x1024xf32, #tpu.memory_space<hbm>> -> memref<56x1024xf32, #tpu.memory_space<hbm>>
    %dma_wait3A_307 = arith.constant 0 : i32
    %dma_wait3A_308 = tpu.memref_slice %arg3[%dma_wait3A_300, %add3A_299, %dma_wait3A_307] : memref<4x8192x1024xf32, #tpu.memory_space<hbm>> -> memref<1x56x1024xf32, #tpu.memory_space<hbm>>
    %dma_wait3A_309 = tpu.memref_squeeze %dma_wait3A_308 : memref<1x56x1024xf32, #tpu.memory_space<hbm>> -> memref<56x1024xf32, #tpu.memory_space<hbm>>
    %dma_wait3A_310 = arith.constant 0 : i32
    %dma_wait3A_311 = arith.constant 0 : i32
    %dma_wait3A_312 = tpu.memref_slice %arg5[%dma_wait3A_310, %dma_wait3A_311] : memref<56x1024xf32, #tpu.memory_space<vmem>> -> memref<56x1024xf32, #tpu.memory_space<vmem>>
    tpu.wait_dma2 semaphore(%arg9 : memref<!tpu.dma_semaphore, #tpu.memory_space<semaphore_mem>>) src(%dma_wait3A_312 : memref<56x1024xf32, #tpu.memory_space<vmem>>) dst(%dma_wait3A_309 : memref<56x1024xf32, #tpu.memory_space<hbm>>)
    %add3A_313 = arith.constant 168 : i32
    %add3A_314 = arith.addi %mul3A_2, %add3A_313 : i32
    %dma_start3A_315 = arith.constant 0 : i32
    %dma_start3A_316 = arith.constant 0 : i32
    %dma_start3A_317 = tpu.memref_slice %arg5[%dma_start3A_315, %dma_start3A_316] : memref<56x1024xf32, #tpu.memory_space<vmem>> -> memref<56x1024xf32, #tpu.memory_space<vmem>>
    %dma_start3A_318 = arith.constant 0 : i32
    %dma_start3A_319 = tpu.memref_slice %arg2[%add3A_314, %dma_start3A_318] : memref<8192x1024xf32, #tpu.memory_space<hbm>> -> memref<56x1024xf32, #tpu.memory_space<hbm>>
    %dma_start3A_320 = arith.constant 0 : i32
    %dma_start3A_321 = arith.constant 0 : i32
    %dma_start3A_322 = tpu.memref_slice %arg5[%dma_start3A_320, %dma_start3A_321] : memref<56x1024xf32, #tpu.memory_space<vmem>> -> memref<56x1024xf32, #tpu.memory_space<vmem>>
    %dma_start3A_323 = arith.constant 0 : i32
    %dma_start3A_324 = tpu.memref_slice %arg2[%add3A_314, %dma_start3A_323] : memref<8192x1024xf32, #tpu.memory_space<hbm>> -> memref<56x1024xf32, #tpu.memory_space<hbm>>
    tpu.enqueue_dma source(%dma_start3A_324 : memref<56x1024xf32, #tpu.memory_space<hbm>>) target(%dma_start3A_322 : memref<56x1024xf32, #tpu.memory_space<vmem>>) target_semaphore(%arg7 : memref<!tpu.dma_semaphore, #tpu.memory_space<semaphore_mem>>)
    %add3A_325 = arith.constant 112 : i32
    %add3A_326 = arith.addi %mul3A_2, %add3A_325 : i32
    %dma_start3A_327 = arith.constant 0 : i32
    %dma_start3A_328 = arith.constant 0 : i32
    %dma_start3A_329 = arith.constant 0 : i32
    %dma_start3A_330 = tpu.memref_slice %arg4[%dma_start3A_328, %dma_start3A_329] : memref<56x1024xf32, #tpu.memory_space<vmem>> -> memref<56x1024xf32, #tpu.memory_space<vmem>>
    %dma_start3A_331 = arith.constant 0 : i32
    %dma_start3A_332 = tpu.memref_slice %arg3[%dma_start3A_327, %add3A_326, %dma_start3A_331] : memref<4x8192x1024xf32, #tpu.memory_space<hbm>> -> memref<1x56x1024xf32, #tpu.memory_space<hbm>>
    %dma_start3A_333 = tpu.memref_squeeze %dma_start3A_332 : memref<1x56x1024xf32, #tpu.memory_space<hbm>> -> memref<56x1024xf32, #tpu.memory_space<hbm>>
    %dma_start3A_334 = arith.constant 0 : i32
    %dma_start3A_335 = tpu.memref_slice %arg3[%dma_start3A_327, %add3A_326, %dma_start3A_334] : memref<4x8192x1024xf32, #tpu.memory_space<hbm>> -> memref<1x56x1024xf32, #tpu.memory_space<hbm>>
    %dma_start3A_336 = tpu.memref_squeeze %dma_start3A_335 : memref<1x56x1024xf32, #tpu.memory_space<hbm>> -> memref<56x1024xf32, #tpu.memory_space<hbm>>
    %dma_start3A_337 = arith.constant 0 : i32
    %dma_start3A_338 = arith.constant 0 : i32
    %dma_start3A_339 = tpu.memref_slice %arg4[%dma_start3A_337, %dma_start3A_338] : memref<56x1024xf32, #tpu.memory_space<vmem>> -> memref<56x1024xf32, #tpu.memory_space<vmem>>
    tpu.enqueue_dma source(%dma_start3A_339 : memref<56x1024xf32, #tpu.memory_space<vmem>>) target(%dma_start3A_336 : memref<56x1024xf32, #tpu.memory_space<hbm>>) target_semaphore(%arg8 : memref<!tpu.dma_semaphore, #tpu.memory_space<semaphore_mem>>)
    %add3A_340 = arith.constant 112 : i32
    %add3A_341 = arith.addi %mul3A_2, %add3A_340 : i32
    %dma_start3A_342 = arith.constant 1 : i32
    %dma_start3A_343 = arith.constant 0 : i32
    %dma_start3A_344 = arith.constant 0 : i32
    %dma_start3A_345 = tpu.memref_slice %arg4[%dma_start3A_343, %dma_start3A_344] : memref<56x1024xf32, #tpu.memory_space<vmem>> -> memref<56x1024xf32, #tpu.memory_space<vmem>>
    %dma_start3A_346 = arith.constant 0 : i32
    %dma_start3A_347 = tpu.memref_slice %arg3[%dma_start3A_342, %add3A_341, %dma_start3A_346] : memref<4x8192x1024xf32, #tpu.memory_space<hbm>> -> memref<1x56x1024xf32, #tpu.memory_space<hbm>>
    %dma_start3A_348 = tpu.memref_squeeze %dma_start3A_347 : memref<1x56x1024xf32, #tpu.memory_space<hbm>> -> memref<56x1024xf32, #tpu.memory_space<hbm>>
    %dma_start3A_349 = arith.constant 0 : i32
    %dma_start3A_350 = tpu.memref_slice %arg3[%dma_start3A_342, %add3A_341, %dma_start3A_349] : memref<4x8192x1024xf32, #tpu.memory_space<hbm>> -> memref<1x56x1024xf32, #tpu.memory_space<hbm>>
    %dma_start3A_351 = tpu.memref_squeeze %dma_start3A_350 : memref<1x56x1024xf32, #tpu.memory_space<hbm>> -> memref<56x1024xf32, #tpu.memory_space<hbm>>
    %dma_start3A_352 = arith.constant 0 : i32
    %dma_start3A_353 = arith.constant 0 : i32
    %dma_start3A_354 = tpu.memref_slice %arg4[%dma_start3A_352, %dma_start3A_353] : memref<56x1024xf32, #tpu.memory_space<vmem>> -> memref<56x1024xf32, #tpu.memory_space<vmem>>
    tpu.enqueue_dma source(%dma_start3A_354 : memref<56x1024xf32, #tpu.memory_space<vmem>>) target(%dma_start3A_351 : memref<56x1024xf32, #tpu.memory_space<hbm>>) target_semaphore(%arg8 : memref<!tpu.dma_semaphore, #tpu.memory_space<semaphore_mem>>)
    %add3A_355 = arith.constant 112 : i32
    %add3A_356 = arith.addi %mul3A_2, %add3A_355 : i32
    %dma_start3A_357 = arith.constant 2 : i32
    %dma_start3A_358 = arith.constant 0 : i32
    %dma_start3A_359 = arith.constant 0 : i32
    %dma_start3A_360 = tpu.memref_slice %arg4[%dma_start3A_358, %dma_start3A_359] : memref<56x1024xf32, #tpu.memory_space<vmem>> -> memref<56x1024xf32, #tpu.memory_space<vmem>>
    %dma_start3A_361 = arith.constant 0 : i32
    %dma_start3A_362 = tpu.memref_slice %arg3[%dma_start3A_357, %add3A_356, %dma_start3A_361] : memref<4x8192x1024xf32, #tpu.memory_space<hbm>> -> memref<1x56x1024xf32, #tpu.memory_space<hbm>>
    %dma_start3A_363 = tpu.memref_squeeze %dma_start3A_362 : memref<1x56x1024xf32, #tpu.memory_space<hbm>> -> memref<56x1024xf32, #tpu.memory_space<hbm>>
    %dma_start3A_364 = arith.constant 0 : i32
    %dma_start3A_365 = tpu.memref_slice %arg3[%dma_start3A_357, %add3A_356, %dma_start3A_364] : memref<4x8192x1024xf32, #tpu.memory_space<hbm>> -> memref<1x56x1024xf32, #tpu.memory_space<hbm>>
    %dma_start3A_366 = tpu.memref_squeeze %dma_start3A_365 : memref<1x56x1024xf32, #tpu.memory_space<hbm>> -> memref<56x1024xf32, #tpu.memory_space<hbm>>
    %dma_start3A_367 = arith.constant 0 : i32
    %dma_start3A_368 = arith.constant 0 : i32
    %dma_start3A_369 = tpu.memref_slice %arg4[%dma_start3A_367, %dma_start3A_368] : memref<56x1024xf32, #tpu.memory_space<vmem>> -> memref<56x1024xf32, #tpu.memory_space<vmem>>
    tpu.enqueue_dma source(%dma_start3A_369 : memref<56x1024xf32, #tpu.memory_space<vmem>>) target(%dma_start3A_366 : memref<56x1024xf32, #tpu.memory_space<hbm>>) target_semaphore(%arg8 : memref<!tpu.dma_semaphore, #tpu.memory_space<semaphore_mem>>)
    %add3A_370 = arith.constant 112 : i32
    %add3A_371 = arith.addi %mul3A_2, %add3A_370 : i32
    %dma_start3A_372 = arith.constant 3 : i32
    %dma_start3A_373 = arith.constant 0 : i32
    %dma_start3A_374 = arith.constant 0 : i32
    %dma_start3A_375 = tpu.memref_slice %arg4[%dma_start3A_373, %dma_start3A_374] : memref<56x1024xf32, #tpu.memory_space<vmem>> -> memref<56x1024xf32, #tpu.memory_space<vmem>>
    %dma_start3A_376 = arith.constant 0 : i32
    %dma_start3A_377 = tpu.memref_slice %arg3[%dma_start3A_372, %add3A_371, %dma_start3A_376] : memref<4x8192x1024xf32, #tpu.memory_space<hbm>> -> memref<1x56x1024xf32, #tpu.memory_space<hbm>>
    %dma_start3A_378 = tpu.memref_squeeze %dma_start3A_377 : memref<1x56x1024xf32, #tpu.memory_space<hbm>> -> memref<56x1024xf32, #tpu.memory_space<hbm>>
    %dma_start3A_379 = arith.constant 0 : i32
    %dma_start3A_380 = tpu.memref_slice %arg3[%dma_start3A_372, %add3A_371, %dma_start3A_379] : memref<4x8192x1024xf32, #tpu.memory_space<hbm>> -> memref<1x56x1024xf32, #tpu.memory_space<hbm>>
    %dma_start3A_381 = tpu.memref_squeeze %dma_start3A_380 : memref<1x56x1024xf32, #tpu.memory_space<hbm>> -> memref<56x1024xf32, #tpu.memory_space<hbm>>
    %dma_start3A_382 = arith.constant 0 : i32
    %dma_start3A_383 = arith.constant 0 : i32
    %dma_start3A_384 = tpu.memref_slice %arg4[%dma_start3A_382, %dma_start3A_383] : memref<56x1024xf32, #tpu.memory_space<vmem>> -> memref<56x1024xf32, #tpu.memory_space<vmem>>
    tpu.enqueue_dma source(%dma_start3A_384 : memref<56x1024xf32, #tpu.memory_space<vmem>>) target(%dma_start3A_381 : memref<56x1024xf32, #tpu.memory_space<hbm>>) target_semaphore(%arg8 : memref<!tpu.dma_semaphore, #tpu.memory_space<semaphore_mem>>)
    %add3A_385 = arith.constant 168 : i32
    %add3A_386 = arith.addi %mul3A_2, %add3A_385 : i32
    %dma_wait3A_387 = arith.constant 0 : i32
    %dma_wait3A_388 = arith.constant 0 : i32
    %dma_wait3A_389 = tpu.memref_slice %arg5[%dma_wait3A_387, %dma_wait3A_388] : memref<56x1024xf32, #tpu.memory_space<vmem>> -> memref<56x1024xf32, #tpu.memory_space<vmem>>
    %dma_wait3A_390 = arith.constant 0 : i32
    %dma_wait3A_391 = tpu.memref_slice %arg2[%add3A_386, %dma_wait3A_390] : memref<8192x1024xf32, #tpu.memory_space<hbm>> -> memref<56x1024xf32, #tpu.memory_space<hbm>>
    %dma_wait3A_392 = arith.constant 0 : i32
    %dma_wait3A_393 = arith.constant 0 : i32
    %dma_wait3A_394 = tpu.memref_slice %arg5[%dma_wait3A_392, %dma_wait3A_393] : memref<56x1024xf32, #tpu.memory_space<vmem>> -> memref<56x1024xf32, #tpu.memory_space<vmem>>
    %dma_wait3A_395 = arith.constant 0 : i32
    %dma_wait3A_396 = tpu.memref_slice %arg2[%add3A_386, %dma_wait3A_395] : memref<8192x1024xf32, #tpu.memory_space<hbm>> -> memref<56x1024xf32, #tpu.memory_space<hbm>>
    tpu.wait_dma2 semaphore(%arg7 : memref<!tpu.dma_semaphore, #tpu.memory_space<semaphore_mem>>) src(%dma_wait3A_396 : memref<56x1024xf32, #tpu.memory_space<hbm>>) dst(%dma_wait3A_394 : memref<56x1024xf32, #tpu.memory_space<vmem>>)
    %add3A_397 = arith.constant 112 : i32
    %add3A_398 = arith.addi %mul3A_2, %add3A_397 : i32
    %dma_wait3A_399 = arith.constant 0 : i32
    %dma_wait3A_400 = arith.constant 0 : i32
    %dma_wait3A_401 = arith.constant 0 : i32
    %dma_wait3A_402 = tpu.memref_slice %arg4[%dma_wait3A_400, %dma_wait3A_401] : memref<56x1024xf32, #tpu.memory_space<vmem>> -> memref<56x1024xf32, #tpu.memory_space<vmem>>
    %dma_wait3A_403 = arith.constant 0 : i32
    %dma_wait3A_404 = tpu.memref_slice %arg3[%dma_wait3A_399, %add3A_398, %dma_wait3A_403] : memref<4x8192x1024xf32, #tpu.memory_space<hbm>> -> memref<1x56x1024xf32, #tpu.memory_space<hbm>>
    %dma_wait3A_405 = tpu.memref_squeeze %dma_wait3A_404 : memref<1x56x1024xf32, #tpu.memory_space<hbm>> -> memref<56x1024xf32, #tpu.memory_space<hbm>>
    %dma_wait3A_406 = arith.constant 0 : i32
    %dma_wait3A_407 = tpu.memref_slice %arg3[%dma_wait3A_399, %add3A_398, %dma_wait3A_406] : memref<4x8192x1024xf32, #tpu.memory_space<hbm>> -> memref<1x56x1024xf32, #tpu.memory_space<hbm>>
    %dma_wait3A_408 = tpu.memref_squeeze %dma_wait3A_407 : memref<1x56x1024xf32, #tpu.memory_space<hbm>> -> memref<56x1024xf32, #tpu.memory_space<hbm>>
    %dma_wait3A_409 = arith.constant 0 : i32
    %dma_wait3A_410 = arith.constant 0 : i32
    %dma_wait3A_411 = tpu.memref_slice %arg4[%dma_wait3A_409, %dma_wait3A_410] : memref<56x1024xf32, #tpu.memory_space<vmem>> -> memref<56x1024xf32, #tpu.memory_space<vmem>>
    tpu.wait_dma2 semaphore(%arg8 : memref<!tpu.dma_semaphore, #tpu.memory_space<semaphore_mem>>) src(%dma_wait3A_411 : memref<56x1024xf32, #tpu.memory_space<vmem>>) dst(%dma_wait3A_408 : memref<56x1024xf32, #tpu.memory_space<hbm>>)
    %add3A_412 = arith.constant 112 : i32
    %add3A_413 = arith.addi %mul3A_2, %add3A_412 : i32
    %dma_wait3A_414 = arith.constant 1 : i32
    %dma_wait3A_415 = arith.constant 0 : i32
    %dma_wait3A_416 = arith.constant 0 : i32
    %dma_wait3A_417 = tpu.memref_slice %arg4[%dma_wait3A_415, %dma_wait3A_416] : memref<56x1024xf32, #tpu.memory_space<vmem>> -> memref<56x1024xf32, #tpu.memory_space<vmem>>
    %dma_wait3A_418 = arith.constant 0 : i32
    %dma_wait3A_419 = tpu.memref_slice %arg3[%dma_wait3A_414, %add3A_413, %dma_wait3A_418] : memref<4x8192x1024xf32, #tpu.memory_space<hbm>> -> memref<1x56x1024xf32, #tpu.memory_space<hbm>>
    %dma_wait3A_420 = tpu.memref_squeeze %dma_wait3A_419 : memref<1x56x1024xf32, #tpu.memory_space<hbm>> -> memref<56x1024xf32, #tpu.memory_space<hbm>>
    %dma_wait3A_421 = arith.constant 0 : i32
    %dma_wait3A_422 = tpu.memref_slice %arg3[%dma_wait3A_414, %add3A_413, %dma_wait3A_421] : memref<4x8192x1024xf32, #tpu.memory_space<hbm>> -> memref<1x56x1024xf32, #tpu.memory_space<hbm>>
    %dma_wait3A_423 = tpu.memref_squeeze %dma_wait3A_422 : memref<1x56x1024xf32, #tpu.memory_space<hbm>> -> memref<56x1024xf32, #tpu.memory_space<hbm>>
    %dma_wait3A_424 = arith.constant 0 : i32
    %dma_wait3A_425 = arith.constant 0 : i32
    %dma_wait3A_426 = tpu.memref_slice %arg4[%dma_wait3A_424, %dma_wait3A_425] : memref<56x1024xf32, #tpu.memory_space<vmem>> -> memref<56x1024xf32, #tpu.memory_space<vmem>>
    tpu.wait_dma2 semaphore(%arg8 : memref<!tpu.dma_semaphore, #tpu.memory_space<semaphore_mem>>) src(%dma_wait3A_426 : memref<56x1024xf32, #tpu.memory_space<vmem>>) dst(%dma_wait3A_423 : memref<56x1024xf32, #tpu.memory_space<hbm>>)
    %add3A_427 = arith.constant 112 : i32
    %add3A_428 = arith.addi %mul3A_2, %add3A_427 : i32
    %dma_wait3A_429 = arith.constant 2 : i32
    %dma_wait3A_430 = arith.constant 0 : i32
    %dma_wait3A_431 = arith.constant 0 : i32
    %dma_wait3A_432 = tpu.memref_slice %arg4[%dma_wait3A_430, %dma_wait3A_431] : memref<56x1024xf32, #tpu.memory_space<vmem>> -> memref<56x1024xf32, #tpu.memory_space<vmem>>
    %dma_wait3A_433 = arith.constant 0 : i32
    %dma_wait3A_434 = tpu.memref_slice %arg3[%dma_wait3A_429, %add3A_428, %dma_wait3A_433] : memref<4x8192x1024xf32, #tpu.memory_space<hbm>> -> memref<1x56x1024xf32, #tpu.memory_space<hbm>>
    %dma_wait3A_435 = tpu.memref_squeeze %dma_wait3A_434 : memref<1x56x1024xf32, #tpu.memory_space<hbm>> -> memref<56x1024xf32, #tpu.memory_space<hbm>>
    %dma_wait3A_436 = arith.constant 0 : i32
    %dma_wait3A_437 = tpu.memref_slice %arg3[%dma_wait3A_429, %add3A_428, %dma_wait3A_436] : memref<4x8192x1024xf32, #tpu.memory_space<hbm>> -> memref<1x56x1024xf32, #tpu.memory_space<hbm>>
    %dma_wait3A_438 = tpu.memref_squeeze %dma_wait3A_437 : memref<1x56x1024xf32, #tpu.memory_space<hbm>> -> memref<56x1024xf32, #tpu.memory_space<hbm>>
    %dma_wait3A_439 = arith.constant 0 : i32
    %dma_wait3A_440 = arith.constant 0 : i32
    %dma_wait3A_441 = tpu.memref_slice %arg4[%dma_wait3A_439, %dma_wait3A_440] : memref<56x1024xf32, #tpu.memory_space<vmem>> -> memref<56x1024xf32, #tpu.memory_space<vmem>>
    tpu.wait_dma2 semaphore(%arg8 : memref<!tpu.dma_semaphore, #tpu.memory_space<semaphore_mem>>) src(%dma_wait3A_441 : memref<56x1024xf32, #tpu.memory_space<vmem>>) dst(%dma_wait3A_438 : memref<56x1024xf32, #tpu.memory_space<hbm>>)
    %add3A_442 = arith.constant 112 : i32
    %add3A_443 = arith.addi %mul3A_2, %add3A_442 : i32
    %dma_wait3A_444 = arith.constant 3 : i32
    %dma_wait3A_445 = arith.constant 0 : i32
    %dma_wait3A_446 = arith.constant 0 : i32
    %dma_wait3A_447 = tpu.memref_slice %arg4[%dma_wait3A_445, %dma_wait3A_446] : memref<56x1024xf32, #tpu.memory_space<vmem>> -> memref<56x1024xf32, #tpu.memory_space<vmem>>
    %dma_wait3A_448 = arith.constant 0 : i32
    %dma_wait3A_449 = tpu.memref_slice %arg3[%dma_wait3A_444, %add3A_443, %dma_wait3A_448] : memref<4x8192x1024xf32, #tpu.memory_space<hbm>> -> memref<1x56x1024xf32, #tpu.memory_space<hbm>>
    %dma_wait3A_450 = tpu.memref_squeeze %dma_wait3A_449 : memref<1x56x1024xf32, #tpu.memory_space<hbm>> -> memref<56x1024xf32, #tpu.memory_space<hbm>>
    %dma_wait3A_451 = arith.constant 0 : i32
    %dma_wait3A_452 = tpu.memref_slice %arg3[%dma_wait3A_444, %add3A_443, %dma_wait3A_451] : memref<4x8192x1024xf32, #tpu.memory_space<hbm>> -> memref<1x56x1024xf32, #tpu.memory_space<hbm>>
    %dma_wait3A_453 = tpu.memref_squeeze %dma_wait3A_452 : memref<1x56x1024xf32, #tpu.memory_space<hbm>> -> memref<56x1024xf32, #tpu.memory_space<hbm>>
    %dma_wait3A_454 = arith.constant 0 : i32
    %dma_wait3A_455 = arith.constant 0 : i32
    %dma_wait3A_456 = tpu.memref_slice %arg4[%dma_wait3A_454, %dma_wait3A_455] : memref<56x1024xf32, #tpu.memory_space<vmem>> -> memref<56x1024xf32, #tpu.memory_space<vmem>>
    tpu.wait_dma2 semaphore(%arg8 : memref<!tpu.dma_semaphore, #tpu.memory_space<semaphore_mem>>) src(%dma_wait3A_456 : memref<56x1024xf32, #tpu.memory_space<vmem>>) dst(%dma_wait3A_453 : memref<56x1024xf32, #tpu.memory_space<hbm>>)
    %add3A_457 = arith.constant 224 : i32
    %add3A_458 = arith.addi %mul3A_2, %add3A_457 : i32
    %dma_start3A_459 = arith.constant 0 : i32
    %dma_start3A_460 = arith.constant 0 : i32
    %dma_start3A_461 = tpu.memref_slice %arg4[%dma_start3A_459, %dma_start3A_460] : memref<56x1024xf32, #tpu.memory_space<vmem>> -> memref<32x1024xf32, #tpu.memory_space<vmem>>
    %dma_start3A_462 = arith.constant 0 : i32
    %dma_start3A_463 = tpu.memref_slice %arg2[%add3A_458, %dma_start3A_462] : memref<8192x1024xf32, #tpu.memory_space<hbm>> -> memref<32x1024xf32, #tpu.memory_space<hbm>>
    %dma_start3A_464 = arith.constant 0 : i32
    %dma_start3A_465 = arith.constant 0 : i32
    %dma_start3A_466 = tpu.memref_slice %arg4[%dma_start3A_464, %dma_start3A_465] : memref<56x1024xf32, #tpu.memory_space<vmem>> -> memref<32x1024xf32, #tpu.memory_space<vmem>>
    %dma_start3A_467 = arith.constant 0 : i32
    %dma_start3A_468 = tpu.memref_slice %arg2[%add3A_458, %dma_start3A_467] : memref<8192x1024xf32, #tpu.memory_space<hbm>> -> memref<32x1024xf32, #tpu.memory_space<hbm>>
    tpu.enqueue_dma source(%dma_start3A_468 : memref<32x1024xf32, #tpu.memory_space<hbm>>) target(%dma_start3A_466 : memref<32x1024xf32, #tpu.memory_space<vmem>>) target_semaphore(%arg6 : memref<!tpu.dma_semaphore, #tpu.memory_space<semaphore_mem>>)
    %add3A_469 = arith.constant 168 : i32
    %add3A_470 = arith.addi %mul3A_2, %add3A_469 : i32
    %dma_start3A_471 = arith.constant 0 : i32
    %dma_start3A_472 = arith.constant 0 : i32
    %dma_start3A_473 = arith.constant 0 : i32
    %dma_start3A_474 = tpu.memref_slice %arg5[%dma_start3A_472, %dma_start3A_473] : memref<56x1024xf32, #tpu.memory_space<vmem>> -> memref<56x1024xf32, #tpu.memory_space<vmem>>
    %dma_start3A_475 = arith.constant 0 : i32
    %dma_start3A_476 = tpu.memref_slice %arg3[%dma_start3A_471, %add3A_470, %dma_start3A_475] : memref<4x8192x1024xf32, #tpu.memory_space<hbm>> -> memref<1x56x1024xf32, #tpu.memory_space<hbm>>
    %dma_start3A_477 = tpu.memref_squeeze %dma_start3A_476 : memref<1x56x1024xf32, #tpu.memory_space<hbm>> -> memref<56x1024xf32, #tpu.memory_space<hbm>>
    %dma_start3A_478 = arith.constant 0 : i32
    %dma_start3A_479 = tpu.memref_slice %arg3[%dma_start3A_471, %add3A_470, %dma_start3A_478] : memref<4x8192x1024xf32, #tpu.memory_space<hbm>> -> memref<1x56x1024xf32, #tpu.memory_space<hbm>>
    %dma_start3A_480 = tpu.memref_squeeze %dma_start3A_479 : memref<1x56x1024xf32, #tpu.memory_space<hbm>> -> memref<56x1024xf32, #tpu.memory_space<hbm>>
    %dma_start3A_481 = arith.constant 0 : i32
    %dma_start3A_482 = arith.constant 0 : i32
    %dma_start3A_483 = tpu.memref_slice %arg5[%dma_start3A_481, %dma_start3A_482] : memref<56x1024xf32, #tpu.memory_space<vmem>> -> memref<56x1024xf32, #tpu.memory_space<vmem>>
    tpu.enqueue_dma source(%dma_start3A_483 : memref<56x1024xf32, #tpu.memory_space<vmem>>) target(%dma_start3A_480 : memref<56x1024xf32, #tpu.memory_space<hbm>>) target_semaphore(%arg9 : memref<!tpu.dma_semaphore, #tpu.memory_space<semaphore_mem>>)
    %add3A_484 = arith.constant 168 : i32
    %add3A_485 = arith.addi %mul3A_2, %add3A_484 : i32
    %dma_start3A_486 = arith.constant 1 : i32
    %dma_start3A_487 = arith.constant 0 : i32
    %dma_start3A_488 = arith.constant 0 : i32
    %dma_start3A_489 = tpu.memref_slice %arg5[%dma_start3A_487, %dma_start3A_488] : memref<56x1024xf32, #tpu.memory_space<vmem>> -> memref<56x1024xf32, #tpu.memory_space<vmem>>
    %dma_start3A_490 = arith.constant 0 : i32
    %dma_start3A_491 = tpu.memref_slice %arg3[%dma_start3A_486, %add3A_485, %dma_start3A_490] : memref<4x8192x1024xf32, #tpu.memory_space<hbm>> -> memref<1x56x1024xf32, #tpu.memory_space<hbm>>
    %dma_start3A_492 = tpu.memref_squeeze %dma_start3A_491 : memref<1x56x1024xf32, #tpu.memory_space<hbm>> -> memref<56x1024xf32, #tpu.memory_space<hbm>>
    %dma_start3A_493 = arith.constant 0 : i32
    %dma_start3A_494 = tpu.memref_slice %arg3[%dma_start3A_486, %add3A_485, %dma_start3A_493] : memref<4x8192x1024xf32, #tpu.memory_space<hbm>> -> memref<1x56x1024xf32, #tpu.memory_space<hbm>>
    %dma_start3A_495 = tpu.memref_squeeze %dma_start3A_494 : memref<1x56x1024xf32, #tpu.memory_space<hbm>> -> memref<56x1024xf32, #tpu.memory_space<hbm>>
    %dma_start3A_496 = arith.constant 0 : i32
    %dma_start3A_497 = arith.constant 0 : i32
    %dma_start3A_498 = tpu.memref_slice %arg5[%dma_start3A_496, %dma_start3A_497] : memref<56x1024xf32, #tpu.memory_space<vmem>> -> memref<56x1024xf32, #tpu.memory_space<vmem>>
    tpu.enqueue_dma source(%dma_start3A_498 : memref<56x1024xf32, #tpu.memory_space<vmem>>) target(%dma_start3A_495 : memref<56x1024xf32, #tpu.memory_space<hbm>>) target_semaphore(%arg9 : memref<!tpu.dma_semaphore, #tpu.memory_space<semaphore_mem>>)
    %add3A_499 = arith.constant 168 : i32
    %add3A_500 = arith.addi %mul3A_2, %add3A_499 : i32
    %dma_start3A_501 = arith.constant 2 : i32
    %dma_start3A_502 = arith.constant 0 : i32
    %dma_start3A_503 = arith.constant 0 : i32
    %dma_start3A_504 = tpu.memref_slice %arg5[%dma_start3A_502, %dma_start3A_503] : memref<56x1024xf32, #tpu.memory_space<vmem>> -> memref<56x1024xf32, #tpu.memory_space<vmem>>
    %dma_start3A_505 = arith.constant 0 : i32
    %dma_start3A_506 = tpu.memref_slice %arg3[%dma_start3A_501, %add3A_500, %dma_start3A_505] : memref<4x8192x1024xf32, #tpu.memory_space<hbm>> -> memref<1x56x1024xf32, #tpu.memory_space<hbm>>
    %dma_start3A_507 = tpu.memref_squeeze %dma_start3A_506 : memref<1x56x1024xf32, #tpu.memory_space<hbm>> -> memref<56x1024xf32, #tpu.memory_space<hbm>>
    %dma_start3A_508 = arith.constant 0 : i32
    %dma_start3A_509 = tpu.memref_slice %arg3[%dma_start3A_501, %add3A_500, %dma_start3A_508] : memref<4x8192x1024xf32, #tpu.memory_space<hbm>> -> memref<1x56x1024xf32, #tpu.memory_space<hbm>>
    %dma_start3A_510 = tpu.memref_squeeze %dma_start3A_509 : memref<1x56x1024xf32, #tpu.memory_space<hbm>> -> memref<56x1024xf32, #tpu.memory_space<hbm>>
    %dma_start3A_511 = arith.constant 0 : i32
    %dma_start3A_512 = arith.constant 0 : i32
    %dma_start3A_513 = tpu.memref_slice %arg5[%dma_start3A_511, %dma_start3A_512] : memref<56x1024xf32, #tpu.memory_space<vmem>> -> memref<56x1024xf32, #tpu.memory_space<vmem>>
    tpu.enqueue_dma source(%dma_start3A_513 : memref<56x1024xf32, #tpu.memory_space<vmem>>) target(%dma_start3A_510 : memref<56x1024xf32, #tpu.memory_space<hbm>>) target_semaphore(%arg9 : memref<!tpu.dma_semaphore, #tpu.memory_space<semaphore_mem>>)
    %add3A_514 = arith.constant 168 : i32
    %add3A_515 = arith.addi %mul3A_2, %add3A_514 : i32
    %dma_start3A_516 = arith.constant 3 : i32
    %dma_start3A_517 = arith.constant 0 : i32
    %dma_start3A_518 = arith.constant 0 : i32
    %dma_start3A_519 = tpu.memref_slice %arg5[%dma_start3A_517, %dma_start3A_518] : memref<56x1024xf32, #tpu.memory_space<vmem>> -> memref<56x1024xf32, #tpu.memory_space<vmem>>
    %dma_start3A_520 = arith.constant 0 : i32
    %dma_start3A_521 = tpu.memref_slice %arg3[%dma_start3A_516, %add3A_515, %dma_start3A_520] : memref<4x8192x1024xf32, #tpu.memory_space<hbm>> -> memref<1x56x1024xf32, #tpu.memory_space<hbm>>
    %dma_start3A_522 = tpu.memref_squeeze %dma_start3A_521 : memref<1x56x1024xf32, #tpu.memory_space<hbm>> -> memref<56x1024xf32, #tpu.memory_space<hbm>>
    %dma_start3A_523 = arith.constant 0 : i32
    %dma_start3A_524 = tpu.memref_slice %arg3[%dma_start3A_516, %add3A_515, %dma_start3A_523] : memref<4x8192x1024xf32, #tpu.memory_space<hbm>> -> memref<1x56x1024xf32, #tpu.memory_space<hbm>>
    %dma_start3A_525 = tpu.memref_squeeze %dma_start3A_524 : memref<1x56x1024xf32, #tpu.memory_space<hbm>> -> memref<56x1024xf32, #tpu.memory_space<hbm>>
    %dma_start3A_526 = arith.constant 0 : i32
    %dma_start3A_527 = arith.constant 0 : i32
    %dma_start3A_528 = tpu.memref_slice %arg5[%dma_start3A_526, %dma_start3A_527] : memref<56x1024xf32, #tpu.memory_space<vmem>> -> memref<56x1024xf32, #tpu.memory_space<vmem>>
    tpu.enqueue_dma source(%dma_start3A_528 : memref<56x1024xf32, #tpu.memory_space<vmem>>) target(%dma_start3A_525 : memref<56x1024xf32, #tpu.memory_space<hbm>>) target_semaphore(%arg9 : memref<!tpu.dma_semaphore, #tpu.memory_space<semaphore_mem>>)
    %add3A_529 = arith.constant 224 : i32
    %add3A_530 = arith.addi %mul3A_2, %add3A_529 : i32
    %dma_wait3A_531 = arith.constant 0 : i32
    %dma_wait3A_532 = arith.constant 0 : i32
    %dma_wait3A_533 = tpu.memref_slice %arg4[%dma_wait3A_531, %dma_wait3A_532] : memref<56x1024xf32, #tpu.memory_space<vmem>> -> memref<32x1024xf32, #tpu.memory_space<vmem>>
    %dma_wait3A_534 = arith.constant 0 : i32
    %dma_wait3A_535 = tpu.memref_slice %arg2[%add3A_530, %dma_wait3A_534] : memref<8192x1024xf32, #tpu.memory_space<hbm>> -> memref<32x1024xf32, #tpu.memory_space<hbm>>
    %dma_wait3A_536 = arith.constant 0 : i32
    %dma_wait3A_537 = arith.constant 0 : i32
    %dma_wait3A_538 = tpu.memref_slice %arg4[%dma_wait3A_536, %dma_wait3A_537] : memref<56x1024xf32, #tpu.memory_space<vmem>> -> memref<32x1024xf32, #tpu.memory_space<vmem>>
    %dma_wait3A_539 = arith.constant 0 : i32
    %dma_wait3A_540 = tpu.memref_slice %arg2[%add3A_530, %dma_wait3A_539] : memref<8192x1024xf32, #tpu.memory_space<hbm>> -> memref<32x1024xf32, #tpu.memory_space<hbm>>
    tpu.wait_dma2 semaphore(%arg6 : memref<!tpu.dma_semaphore, #tpu.memory_space<semaphore_mem>>) src(%dma_wait3A_540 : memref<32x1024xf32, #tpu.memory_space<hbm>>) dst(%dma_wait3A_538 : memref<32x1024xf32, #tpu.memory_space<vmem>>)
    %add3A_541 = arith.constant 224 : i32
    %add3A_542 = arith.addi %mul3A_2, %add3A_541 : i32
    %dma_start3A_543 = arith.constant 0 : i32
    %dma_start3A_544 = arith.constant 0 : i32
    %dma_start3A_545 = arith.constant 0 : i32
    %dma_start3A_546 = tpu.memref_slice %arg4[%dma_start3A_544, %dma_start3A_545] : memref<56x1024xf32, #tpu.memory_space<vmem>> -> memref<32x1024xf32, #tpu.memory_space<vmem>>
    %dma_start3A_547 = arith.constant 0 : i32
    %dma_start3A_548 = tpu.memref_slice %arg3[%dma_start3A_543, %add3A_542, %dma_start3A_547] : memref<4x8192x1024xf32, #tpu.memory_space<hbm>> -> memref<1x32x1024xf32, #tpu.memory_space<hbm>>
    %dma_start3A_549 = tpu.memref_squeeze %dma_start3A_548 : memref<1x32x1024xf32, #tpu.memory_space<hbm>> -> memref<32x1024xf32, #tpu.memory_space<hbm>>
    %dma_start3A_550 = arith.constant 0 : i32
    %dma_start3A_551 = tpu.memref_slice %arg3[%dma_start3A_543, %add3A_542, %dma_start3A_550] : memref<4x8192x1024xf32, #tpu.memory_space<hbm>> -> memref<1x32x1024xf32, #tpu.memory_space<hbm>>
    %dma_start3A_552 = tpu.memref_squeeze %dma_start3A_551 : memref<1x32x1024xf32, #tpu.memory_space<hbm>> -> memref<32x1024xf32, #tpu.memory_space<hbm>>
    %dma_start3A_553 = arith.constant 0 : i32
    %dma_start3A_554 = arith.constant 0 : i32
    %dma_start3A_555 = tpu.memref_slice %arg4[%dma_start3A_553, %dma_start3A_554] : memref<56x1024xf32, #tpu.memory_space<vmem>> -> memref<32x1024xf32, #tpu.memory_space<vmem>>
    tpu.enqueue_dma source(%dma_start3A_555 : memref<32x1024xf32, #tpu.memory_space<vmem>>) target(%dma_start3A_552 : memref<32x1024xf32, #tpu.memory_space<hbm>>) target_semaphore(%arg8 : memref<!tpu.dma_semaphore, #tpu.memory_space<semaphore_mem>>)
    %add3A_556 = arith.constant 224 : i32
    %add3A_557 = arith.addi %mul3A_2, %add3A_556 : i32
    %dma_start3A_558 = arith.constant 1 : i32
    %dma_start3A_559 = arith.constant 0 : i32
    %dma_start3A_560 = arith.constant 0 : i32
    %dma_start3A_561 = tpu.memref_slice %arg4[%dma_start3A_559, %dma_start3A_560] : memref<56x1024xf32, #tpu.memory_space<vmem>> -> memref<32x1024xf32, #tpu.memory_space<vmem>>
    %dma_start3A_562 = arith.constant 0 : i32
    %dma_start3A_563 = tpu.memref_slice %arg3[%dma_start3A_558, %add3A_557, %dma_start3A_562] : memref<4x8192x1024xf32, #tpu.memory_space<hbm>> -> memref<1x32x1024xf32, #tpu.memory_space<hbm>>
    %dma_start3A_564 = tpu.memref_squeeze %dma_start3A_563 : memref<1x32x1024xf32, #tpu.memory_space<hbm>> -> memref<32x1024xf32, #tpu.memory_space<hbm>>
    %dma_start3A_565 = arith.constant 0 : i32
    %dma_start3A_566 = tpu.memref_slice %arg3[%dma_start3A_558, %add3A_557, %dma_start3A_565] : memref<4x8192x1024xf32, #tpu.memory_space<hbm>> -> memref<1x32x1024xf32, #tpu.memory_space<hbm>>
    %dma_start3A_567 = tpu.memref_squeeze %dma_start3A_566 : memref<1x32x1024xf32, #tpu.memory_space<hbm>> -> memref<32x1024xf32, #tpu.memory_space<hbm>>
    %dma_start3A_568 = arith.constant 0 : i32
    %dma_start3A_569 = arith.constant 0 : i32
    %dma_start3A_570 = tpu.memref_slice %arg4[%dma_start3A_568, %dma_start3A_569] : memref<56x1024xf32, #tpu.memory_space<vmem>> -> memref<32x1024xf32, #tpu.memory_space<vmem>>
    tpu.enqueue_dma source(%dma_start3A_570 : memref<32x1024xf32, #tpu.memory_space<vmem>>) target(%dma_start3A_567 : memref<32x1024xf32, #tpu.memory_space<hbm>>) target_semaphore(%arg8 : memref<!tpu.dma_semaphore, #tpu.memory_space<semaphore_mem>>)
    %add3A_571 = arith.constant 224 : i32
    %add3A_572 = arith.addi %mul3A_2, %add3A_571 : i32
    %dma_start3A_573 = arith.constant 2 : i32
    %dma_start3A_574 = arith.constant 0 : i32
    %dma_start3A_575 = arith.constant 0 : i32
    %dma_start3A_576 = tpu.memref_slice %arg4[%dma_start3A_574, %dma_start3A_575] : memref<56x1024xf32, #tpu.memory_space<vmem>> -> memref<32x1024xf32, #tpu.memory_space<vmem>>
    %dma_start3A_577 = arith.constant 0 : i32
    %dma_start3A_578 = tpu.memref_slice %arg3[%dma_start3A_573, %add3A_572, %dma_start3A_577] : memref<4x8192x1024xf32, #tpu.memory_space<hbm>> -> memref<1x32x1024xf32, #tpu.memory_space<hbm>>
    %dma_start3A_579 = tpu.memref_squeeze %dma_start3A_578 : memref<1x32x1024xf32, #tpu.memory_space<hbm>> -> memref<32x1024xf32, #tpu.memory_space<hbm>>
    %dma_start3A_580 = arith.constant 0 : i32
    %dma_start3A_581 = tpu.memref_slice %arg3[%dma_start3A_573, %add3A_572, %dma_start3A_580] : memref<4x8192x1024xf32, #tpu.memory_space<hbm>> -> memref<1x32x1024xf32, #tpu.memory_space<hbm>>
    %dma_start3A_582 = tpu.memref_squeeze %dma_start3A_581 : memref<1x32x1024xf32, #tpu.memory_space<hbm>> -> memref<32x1024xf32, #tpu.memory_space<hbm>>
    %dma_start3A_583 = arith.constant 0 : i32
    %dma_start3A_584 = arith.constant 0 : i32
    %dma_start3A_585 = tpu.memref_slice %arg4[%dma_start3A_583, %dma_start3A_584] : memref<56x1024xf32, #tpu.memory_space<vmem>> -> memref<32x1024xf32, #tpu.memory_space<vmem>>
    tpu.enqueue_dma source(%dma_start3A_585 : memref<32x1024xf32, #tpu.memory_space<vmem>>) target(%dma_start3A_582 : memref<32x1024xf32, #tpu.memory_space<hbm>>) target_semaphore(%arg8 : memref<!tpu.dma_semaphore, #tpu.memory_space<semaphore_mem>>)
    %add3A_586 = arith.constant 224 : i32
    %add3A_587 = arith.addi %mul3A_2, %add3A_586 : i32
    %dma_start3A_588 = arith.constant 3 : i32
    %dma_start3A_589 = arith.constant 0 : i32
    %dma_start3A_590 = arith.constant 0 : i32
    %dma_start3A_591 = tpu.memref_slice %arg4[%dma_start3A_589, %dma_start3A_590] : memref<56x1024xf32, #tpu.memory_space<vmem>> -> memref<32x1024xf32, #tpu.memory_space<vmem>>
    %dma_start3A_592 = arith.constant 0 : i32
    %dma_start3A_593 = tpu.memref_slice %arg3[%dma_start3A_588, %add3A_587, %dma_start3A_592] : memref<4x8192x1024xf32, #tpu.memory_space<hbm>> -> memref<1x32x1024xf32, #tpu.memory_space<hbm>>
    %dma_start3A_594 = tpu.memref_squeeze %dma_start3A_593 : memref<1x32x1024xf32, #tpu.memory_space<hbm>> -> memref<32x1024xf32, #tpu.memory_space<hbm>>
    %dma_start3A_595 = arith.constant 0 : i32
    %dma_start3A_596 = tpu.memref_slice %arg3[%dma_start3A_588, %add3A_587, %dma_start3A_595] : memref<4x8192x1024xf32, #tpu.memory_space<hbm>> -> memref<1x32x1024xf32, #tpu.memory_space<hbm>>
    %dma_start3A_597 = tpu.memref_squeeze %dma_start3A_596 : memref<1x32x1024xf32, #tpu.memory_space<hbm>> -> memref<32x1024xf32, #tpu.memory_space<hbm>>
    %dma_start3A_598 = arith.constant 0 : i32
    %dma_start3A_599 = arith.constant 0 : i32
    %dma_start3A_600 = tpu.memref_slice %arg4[%dma_start3A_598, %dma_start3A_599] : memref<56x1024xf32, #tpu.memory_space<vmem>> -> memref<32x1024xf32, #tpu.memory_space<vmem>>
    tpu.enqueue_dma source(%dma_start3A_600 : memref<32x1024xf32, #tpu.memory_space<vmem>>) target(%dma_start3A_597 : memref<32x1024xf32, #tpu.memory_space<hbm>>) target_semaphore(%arg8 : memref<!tpu.dma_semaphore, #tpu.memory_space<semaphore_mem>>)
    %add3A_601 = arith.constant 168 : i32
    %add3A_602 = arith.addi %mul3A_2, %add3A_601 : i32
    %dma_wait3A_603 = arith.constant 0 : i32
    %dma_wait3A_604 = arith.constant 0 : i32
    %dma_wait3A_605 = arith.constant 0 : i32
    %dma_wait3A_606 = tpu.memref_slice %arg5[%dma_wait3A_604, %dma_wait3A_605] : memref<56x1024xf32, #tpu.memory_space<vmem>> -> memref<56x1024xf32, #tpu.memory_space<vmem>>
    %dma_wait3A_607 = arith.constant 0 : i32
    %dma_wait3A_608 = tpu.memref_slice %arg3[%dma_wait3A_603, %add3A_602, %dma_wait3A_607] : memref<4x8192x1024xf32, #tpu.memory_space<hbm>> -> memref<1x56x1024xf32, #tpu.memory_space<hbm>>
    %dma_wait3A_609 = tpu.memref_squeeze %dma_wait3A_608 : memref<1x56x1024xf32, #tpu.memory_space<hbm>> -> memref<56x1024xf32, #tpu.memory_space<hbm>>
    %dma_wait3A_610 = arith.constant 0 : i32
    %dma_wait3A_611 = tpu.memref_slice %arg3[%dma_wait3A_603, %add3A_602, %dma_wait3A_610] : memref<4x8192x1024xf32, #tpu.memory_space<hbm>> -> memref<1x56x1024xf32, #tpu.memory_space<hbm>>
    %dma_wait3A_612 = tpu.memref_squeeze %dma_wait3A_611 : memref<1x56x1024xf32, #tpu.memory_space<hbm>> -> memref<56x1024xf32, #tpu.memory_space<hbm>>
    %dma_wait3A_613 = arith.constant 0 : i32
    %dma_wait3A_614 = arith.constant 0 : i32
    %dma_wait3A_615 = tpu.memref_slice %arg5[%dma_wait3A_613, %dma_wait3A_614] : memref<56x1024xf32, #tpu.memory_space<vmem>> -> memref<56x1024xf32, #tpu.memory_space<vmem>>
    tpu.wait_dma2 semaphore(%arg9 : memref<!tpu.dma_semaphore, #tpu.memory_space<semaphore_mem>>) src(%dma_wait3A_615 : memref<56x1024xf32, #tpu.memory_space<vmem>>) dst(%dma_wait3A_612 : memref<56x1024xf32, #tpu.memory_space<hbm>>)
    %add3A_616 = arith.constant 168 : i32
    %add3A_617 = arith.addi %mul3A_2, %add3A_616 : i32
    %dma_wait3A_618 = arith.constant 1 : i32
    %dma_wait3A_619 = arith.constant 0 : i32
    %dma_wait3A_620 = arith.constant 0 : i32
    %dma_wait3A_621 = tpu.memref_slice %arg5[%dma_wait3A_619, %dma_wait3A_620] : memref<56x1024xf32, #tpu.memory_space<vmem>> -> memref<56x1024xf32, #tpu.memory_space<vmem>>
    %dma_wait3A_622 = arith.constant 0 : i32
    %dma_wait3A_623 = tpu.memref_slice %arg3[%dma_wait3A_618, %add3A_617, %dma_wait3A_622] : memref<4x8192x1024xf32, #tpu.memory_space<hbm>> -> memref<1x56x1024xf32, #tpu.memory_space<hbm>>
    %dma_wait3A_624 = tpu.memref_squeeze %dma_wait3A_623 : memref<1x56x1024xf32, #tpu.memory_space<hbm>> -> memref<56x1024xf32, #tpu.memory_space<hbm>>
    %dma_wait3A_625 = arith.constant 0 : i32
    %dma_wait3A_626 = tpu.memref_slice %arg3[%dma_wait3A_618, %add3A_617, %dma_wait3A_625] : memref<4x8192x1024xf32, #tpu.memory_space<hbm>> -> memref<1x56x1024xf32, #tpu.memory_space<hbm>>
    %dma_wait3A_627 = tpu.memref_squeeze %dma_wait3A_626 : memref<1x56x1024xf32, #tpu.memory_space<hbm>> -> memref<56x1024xf32, #tpu.memory_space<hbm>>
    %dma_wait3A_628 = arith.constant 0 : i32
    %dma_wait3A_629 = arith.constant 0 : i32
    %dma_wait3A_630 = tpu.memref_slice %arg5[%dma_wait3A_628, %dma_wait3A_629] : memref<56x1024xf32, #tpu.memory_space<vmem>> -> memref<56x1024xf32, #tpu.memory_space<vmem>>
    tpu.wait_dma2 semaphore(%arg9 : memref<!tpu.dma_semaphore, #tpu.memory_space<semaphore_mem>>) src(%dma_wait3A_630 : memref<56x1024xf32, #tpu.memory_space<vmem>>) dst(%dma_wait3A_627 : memref<56x1024xf32, #tpu.memory_space<hbm>>)
    %add3A_631 = arith.constant 168 : i32
    %add3A_632 = arith.addi %mul3A_2, %add3A_631 : i32
    %dma_wait3A_633 = arith.constant 2 : i32
    %dma_wait3A_634 = arith.constant 0 : i32
    %dma_wait3A_635 = arith.constant 0 : i32
    %dma_wait3A_636 = tpu.memref_slice %arg5[%dma_wait3A_634, %dma_wait3A_635] : memref<56x1024xf32, #tpu.memory_space<vmem>> -> memref<56x1024xf32, #tpu.memory_space<vmem>>
    %dma_wait3A_637 = arith.constant 0 : i32
    %dma_wait3A_638 = tpu.memref_slice %arg3[%dma_wait3A_633, %add3A_632, %dma_wait3A_637] : memref<4x8192x1024xf32, #tpu.memory_space<hbm>> -> memref<1x56x1024xf32, #tpu.memory_space<hbm>>
    %dma_wait3A_639 = tpu.memref_squeeze %dma_wait3A_638 : memref<1x56x1024xf32, #tpu.memory_space<hbm>> -> memref<56x1024xf32, #tpu.memory_space<hbm>>
    %dma_wait3A_640 = arith.constant 0 : i32
    %dma_wait3A_641 = tpu.memref_slice %arg3[%dma_wait3A_633, %add3A_632, %dma_wait3A_640] : memref<4x8192x1024xf32, #tpu.memory_space<hbm>> -> memref<1x56x1024xf32, #tpu.memory_space<hbm>>
    %dma_wait3A_642 = tpu.memref_squeeze %dma_wait3A_641 : memref<1x56x1024xf32, #tpu.memory_space<hbm>> -> memref<56x1024xf32, #tpu.memory_space<hbm>>
    %dma_wait3A_643 = arith.constant 0 : i32
    %dma_wait3A_644 = arith.constant 0 : i32
    %dma_wait3A_645 = tpu.memref_slice %arg5[%dma_wait3A_643, %dma_wait3A_644] : memref<56x1024xf32, #tpu.memory_space<vmem>> -> memref<56x1024xf32, #tpu.memory_space<vmem>>
    tpu.wait_dma2 semaphore(%arg9 : memref<!tpu.dma_semaphore, #tpu.memory_space<semaphore_mem>>) src(%dma_wait3A_645 : memref<56x1024xf32, #tpu.memory_space<vmem>>) dst(%dma_wait3A_642 : memref<56x1024xf32, #tpu.memory_space<hbm>>)
    %add3A_646 = arith.constant 168 : i32
    %add3A_647 = arith.addi %mul3A_2, %add3A_646 : i32
    %dma_wait3A_648 = arith.constant 3 : i32
    %dma_wait3A_649 = arith.constant 0 : i32
    %dma_wait3A_650 = arith.constant 0 : i32
    %dma_wait3A_651 = tpu.memref_slice %arg5[%dma_wait3A_649, %dma_wait3A_650] : memref<56x1024xf32, #tpu.memory_space<vmem>> -> memref<56x1024xf32, #tpu.memory_space<vmem>>
    %dma_wait3A_652 = arith.constant 0 : i32
    %dma_wait3A_653 = tpu.memref_slice %arg3[%dma_wait3A_648, %add3A_647, %dma_wait3A_652] : memref<4x8192x1024xf32, #tpu.memory_space<hbm>> -> memref<1x56x1024xf32, #tpu.memory_space<hbm>>
    %dma_wait3A_654 = tpu.memref_squeeze %dma_wait3A_653 : memref<1x56x1024xf32, #tpu.memory_space<hbm>> -> memref<56x1024xf32, #tpu.memory_space<hbm>>
    %dma_wait3A_655 = arith.constant 0 : i32
    %dma_wait3A_656 = tpu.memref_slice %arg3[%dma_wait3A_648, %add3A_647, %dma_wait3A_655] : memref<4x8192x1024xf32, #tpu.memory_space<hbm>> -> memref<1x56x1024xf32, #tpu.memory_space<hbm>>
    %dma_wait3A_657 = tpu.memref_squeeze %dma_wait3A_656 : memref<1x56x1024xf32, #tpu.memory_space<hbm>> -> memref<56x1024xf32, #tpu.memory_space<hbm>>
    %dma_wait3A_658 = arith.constant 0 : i32
    %dma_wait3A_659 = arith.constant 0 : i32
    %dma_wait3A_660 = tpu.memref_slice %arg5[%dma_wait3A_658, %dma_wait3A_659] : memref<56x1024xf32, #tpu.memory_space<vmem>> -> memref<56x1024xf32, #tpu.memory_space<vmem>>
    tpu.wait_dma2 semaphore(%arg9 : memref<!tpu.dma_semaphore, #tpu.memory_space<semaphore_mem>>) src(%dma_wait3A_660 : memref<56x1024xf32, #tpu.memory_space<vmem>>) dst(%dma_wait3A_657 : memref<56x1024xf32, #tpu.memory_space<hbm>>)
    %add3A_661 = arith.constant 224 : i32
    %add3A_662 = arith.addi %mul3A_2, %add3A_661 : i32
    %dma_wait3A_663 = arith.constant 0 : i32
    %dma_wait3A_664 = arith.constant 0 : i32
    %dma_wait3A_665 = arith.constant 0 : i32
    %dma_wait3A_666 = tpu.memref_slice %arg4[%dma_wait3A_664, %dma_wait3A_665] : memref<56x1024xf32, #tpu.memory_space<vmem>> -> memref<32x1024xf32, #tpu.memory_space<vmem>>
    %dma_wait3A_667 = arith.constant 0 : i32
    %dma_wait3A_668 = tpu.memref_slice %arg3[%dma_wait3A_663, %add3A_662, %dma_wait3A_667] : memref<4x8192x1024xf32, #tpu.memory_space<hbm>> -> memref<1x32x1024xf32, #tpu.memory_space<hbm>>
    %dma_wait3A_669 = tpu.memref_squeeze %dma_wait3A_668 : memref<1x32x1024xf32, #tpu.memory_space<hbm>> -> memref<32x1024xf32, #tpu.memory_space<hbm>>
    %dma_wait3A_670 = arith.constant 0 : i32
    %dma_wait3A_671 = tpu.memref_slice %arg3[%dma_wait3A_663, %add3A_662, %dma_wait3A_670] : memref<4x8192x1024xf32, #tpu.memory_space<hbm>> -> memref<1x32x1024xf32, #tpu.memory_space<hbm>>
    %dma_wait3A_672 = tpu.memref_squeeze %dma_wait3A_671 : memref<1x32x1024xf32, #tpu.memory_space<hbm>> -> memref<32x1024xf32, #tpu.memory_space<hbm>>
    %dma_wait3A_673 = arith.constant 0 : i32
    %dma_wait3A_674 = arith.constant 0 : i32
    %dma_wait3A_675 = tpu.memref_slice %arg4[%dma_wait3A_673, %dma_wait3A_674] : memref<56x1024xf32, #tpu.memory_space<vmem>> -> memref<32x1024xf32, #tpu.memory_space<vmem>>
    tpu.wait_dma2 semaphore(%arg8 : memref<!tpu.dma_semaphore, #tpu.memory_space<semaphore_mem>>) src(%dma_wait3A_675 : memref<32x1024xf32, #tpu.memory_space<vmem>>) dst(%dma_wait3A_672 : memref<32x1024xf32, #tpu.memory_space<hbm>>)
    %add3A_676 = arith.constant 224 : i32
    %add3A_677 = arith.addi %mul3A_2, %add3A_676 : i32
    %dma_wait3A_678 = arith.constant 1 : i32
    %dma_wait3A_679 = arith.constant 0 : i32
    %dma_wait3A_680 = arith.constant 0 : i32
    %dma_wait3A_681 = tpu.memref_slice %arg4[%dma_wait3A_679, %dma_wait3A_680] : memref<56x1024xf32, #tpu.memory_space<vmem>> -> memref<32x1024xf32, #tpu.memory_space<vmem>>
    %dma_wait3A_682 = arith.constant 0 : i32
    %dma_wait3A_683 = tpu.memref_slice %arg3[%dma_wait3A_678, %add3A_677, %dma_wait3A_682] : memref<4x8192x1024xf32, #tpu.memory_space<hbm>> -> memref<1x32x1024xf32, #tpu.memory_space<hbm>>
    %dma_wait3A_684 = tpu.memref_squeeze %dma_wait3A_683 : memref<1x32x1024xf32, #tpu.memory_space<hbm>> -> memref<32x1024xf32, #tpu.memory_space<hbm>>
    %dma_wait3A_685 = arith.constant 0 : i32
    %dma_wait3A_686 = tpu.memref_slice %arg3[%dma_wait3A_678, %add3A_677, %dma_wait3A_685] : memref<4x8192x1024xf32, #tpu.memory_space<hbm>> -> memref<1x32x1024xf32, #tpu.memory_space<hbm>>
    %dma_wait3A_687 = tpu.memref_squeeze %dma_wait3A_686 : memref<1x32x1024xf32, #tpu.memory_space<hbm>> -> memref<32x1024xf32, #tpu.memory_space<hbm>>
    %dma_wait3A_688 = arith.constant 0 : i32
    %dma_wait3A_689 = arith.constant 0 : i32
    %dma_wait3A_690 = tpu.memref_slice %arg4[%dma_wait3A_688, %dma_wait3A_689] : memref<56x1024xf32, #tpu.memory_space<vmem>> -> memref<32x1024xf32, #tpu.memory_space<vmem>>
    tpu.wait_dma2 semaphore(%arg8 : memref<!tpu.dma_semaphore, #tpu.memory_space<semaphore_mem>>) src(%dma_wait3A_690 : memref<32x1024xf32, #tpu.memory_space<vmem>>) dst(%dma_wait3A_687 : memref<32x1024xf32, #tpu.memory_space<hbm>>)
    %add3A_691 = arith.constant 224 : i32
    %add3A_692 = arith.addi %mul3A_2, %add3A_691 : i32
    %dma_wait3A_693 = arith.constant 2 : i32
    %dma_wait3A_694 = arith.constant 0 : i32
    %dma_wait3A_695 = arith.constant 0 : i32
    %dma_wait3A_696 = tpu.memref_slice %arg4[%dma_wait3A_694, %dma_wait3A_695] : memref<56x1024xf32, #tpu.memory_space<vmem>> -> memref<32x1024xf32, #tpu.memory_space<vmem>>
    %dma_wait3A_697 = arith.constant 0 : i32
    %dma_wait3A_698 = tpu.memref_slice %arg3[%dma_wait3A_693, %add3A_692, %dma_wait3A_697] : memref<4x8192x1024xf32, #tpu.memory_space<hbm>> -> memref<1x32x1024xf32, #tpu.memory_space<hbm>>
    %dma_wait3A_699 = tpu.memref_squeeze %dma_wait3A_698 : memref<1x32x1024xf32, #tpu.memory_space<hbm>> -> memref<32x1024xf32, #tpu.memory_space<hbm>>
    %dma_wait3A_700 = arith.constant 0 : i32
    %dma_wait3A_701 = tpu.memref_slice %arg3[%dma_wait3A_693, %add3A_692, %dma_wait3A_700] : memref<4x8192x1024xf32, #tpu.memory_space<hbm>> -> memref<1x32x1024xf32, #tpu.memory_space<hbm>>
    %dma_wait3A_702 = tpu.memref_squeeze %dma_wait3A_701 : memref<1x32x1024xf32, #tpu.memory_space<hbm>> -> memref<32x1024xf32, #tpu.memory_space<hbm>>
    %dma_wait3A_703 = arith.constant 0 : i32
    %dma_wait3A_704 = arith.constant 0 : i32
    %dma_wait3A_705 = tpu.memref_slice %arg4[%dma_wait3A_703, %dma_wait3A_704] : memref<56x1024xf32, #tpu.memory_space<vmem>> -> memref<32x1024xf32, #tpu.memory_space<vmem>>
    tpu.wait_dma2 semaphore(%arg8 : memref<!tpu.dma_semaphore, #tpu.memory_space<semaphore_mem>>) src(%dma_wait3A_705 : memref<32x1024xf32, #tpu.memory_space<vmem>>) dst(%dma_wait3A_702 : memref<32x1024xf32, #tpu.memory_space<hbm>>)
    %add3A_706 = arith.constant 224 : i32
    %add3A_707 = arith.addi %mul3A_2, %add3A_706 : i32
    %dma_wait3A_708 = arith.constant 3 : i32
    %dma_wait3A_709 = arith.constant 0 : i32
    %dma_wait3A_710 = arith.constant 0 : i32
    %dma_wait3A_711 = tpu.memref_slice %arg4[%dma_wait3A_709, %dma_wait3A_710] : memref<56x1024xf32, #tpu.memory_space<vmem>> -> memref<32x1024xf32, #tpu.memory_space<vmem>>
    %dma_wait3A_712 = arith.constant 0 : i32
    %dma_wait3A_713 = tpu.memref_slice %arg3[%dma_wait3A_708, %add3A_707, %dma_wait3A_712] : memref<4x8192x1024xf32, #tpu.memory_space<hbm>> -> memref<1x32x1024xf32, #tpu.memory_space<hbm>>
    %dma_wait3A_714 = tpu.memref_squeeze %dma_wait3A_713 : memref<1x32x1024xf32, #tpu.memory_space<hbm>> -> memref<32x1024xf32, #tpu.memory_space<hbm>>
    %dma_wait3A_715 = arith.constant 0 : i32
    %dma_wait3A_716 = tpu.memref_slice %arg3[%dma_wait3A_708, %add3A_707, %dma_wait3A_715] : memref<4x8192x1024xf32, #tpu.memory_space<hbm>> -> memref<1x32x1024xf32, #tpu.memory_space<hbm>>
    %dma_wait3A_717 = tpu.memref_squeeze %dma_wait3A_716 : memref<1x32x1024xf32, #tpu.memory_space<hbm>> -> memref<32x1024xf32, #tpu.memory_space<hbm>>
    %dma_wait3A_718 = arith.constant 0 : i32
    %dma_wait3A_719 = arith.constant 0 : i32
    %dma_wait3A_720 = tpu.memref_slice %arg4[%dma_wait3A_718, %dma_wait3A_719] : memref<56x1024xf32, #tpu.memory_space<vmem>> -> memref<32x1024xf32, #tpu.memory_space<vmem>>
    tpu.wait_dma2 semaphore(%arg8 : memref<!tpu.dma_semaphore, #tpu.memory_space<semaphore_mem>>) src(%dma_wait3A_720 : memref<32x1024xf32, #tpu.memory_space<vmem>>) dst(%dma_wait3A_717 : memref<32x1024xf32, #tpu.memory_space<hbm>>)
    return
  }
}

</mosaic_0001>

<sc_bundles>
// kernel: kernel.3.cloned.1.call-start
scs
__scs_entry_jumppad:
0x0: {  	(pc) =	sbr.rel $0x88, $3  }
0x1: {  	(tag) =	ssettag $0x0;
	lr =	simm.s32 $0x1  }
0x2: {  	[smem:$0x3FA0] =	sst lr;
	_ =	strace $0xD0000000  }
0x3: {  	_ = 	snop  }
0x4: {  	_ = 	snop  }
0x5: {  	_ = 	snop  }
0x6: {  	_ = 	snop  }
0x7: {  	_ = 	snop  }
__scs_overlays_trampoline_lowered:
0x8: {  	[smem:$0x3FAF] =	sst s0  }
0x9: {  	[smem:$0x3FB0] =	sst s1  }
0xa: {  	[smem:$0x3FB1] =	sst s2  }
0xb: {  	[smem:$0x3FB2] =	sst s3  }
0xc: {  	[smem:$0x3FB3] =	sst s4  }
0xd: {  	[smem:$0x3FB4] =	sst s5  }
0xe: {  	[smem:$0x3FB5] =	sst s6  }
0xf: {  	[smem:$0x3FB6] =	sst s7  }
0x10: {  	[smem:$0x3FB7] =	sst s8  }
0x11: {  	[smem:$0x3FB8] =	sst s9;
	s0 =	simm.s32 @!p0 $0x0  }
0x12: {  	s1 =	sld [smem:$0x3F9E];
	s0 =	simm.s32 @p0 $0x1  }
0x13: {  	[smem:$0x3FB9] =	sst s0;
	s0 =	simm.s32 @!p1 $0x0  }
0x14: {  	s2 =	sld [smem:$0x3F9D];
	s0 =	simm.s32 @p1 $0x1  }
0x15: {  	[smem:$0x3FBA] =	sst s0;
	s0 =	simm.s32 @!p2 $0x0  }
0x16: {  	s3 =	sld [smem:$0x3FDB];
	s0 =	simm.s32 @p2 $0x1  }
0x17: {  	s4 =	simm.s32 $0x1BF5;
	[smem:$0x3FBC] =	sst s0  }
0x18: {  	s0 =	sld [smem:$0x3F9F];
	_ =	swait.ge [sflag:s4], $0x0  }
0x19: {  	s7 =	sld [smem:$0x3FA0]  }
0x1a: {  	s8 =	sadd.s32 $0xFFFFE003, lr  }
0x1b: {  	s9 =	sadd.s32 $0xFFFFFEF7, lr;
	s5 =	simm.s32 $0xFFFFFFFF;
	p2 =	slt.u32 s8, $0xFFFFF086  }
0x1c: {  	p1 =	slt.u32 s9, $0xF7A;
	s5 =	simm.s32 @!p2 $0x0  }
0x1d: {  	s5 =	simm.s32 @p1 $0x1;
	p0 =	seq.s32 s7, s2  }
0x1e: {  	s7 =	smul.u32 @!p0 $0xF7A, s2;
	p2 =	seq.s32 @!p0 s5, $0x0  }
0x1f: {  	s9 =	smul.u32 $0xF7A, s1;
	s8 =	simm.s32 @!p0 $0x1BF5;
	p2 =	por !p2, p0  }
0x20: {  	[sflag:s8] =	ssyncset.s32 @!p0 $0xFFFFF086;
	s6 =	sadd.s32 @!p0 s3, s7;
	s7 =	simm.s32 @!p0 $0x108  }
0x21: {  	s3 =	sadd.s32 s3, s9;
	s6 =	sadd.s32 @!p0 $0x88, s6;
	s7 =	simm.s32 @p2 $0x1082  }
0x22: {  	[simem:s7], [sflag:s8] =	dma.local @!p0 [hbm:s6], $0xF7A  }
0x23: {  	s9 =	sor.u32 $0xD0000000, s2;
	s6 =	simm.s32 $0x108;
	_ =	swait.ge @!p0 [sflag:s8], $0x0  }
0x24: {  	s3 =	sadd.s32 $0x88, s3;
	s6 =	simm.s32 @!p1 $0x1082;
	[sflag:s4] =	ssyncset.s32 $0xFFFFF086  }
0x25: {  	[simem:s6], [sflag:s4] =	dma.local [hbm:s3], $0xF7A  }
0x26: {  	[smem:$0x3FA0] =	sst s1;
	(tag) =	ssettag s2;
	_ =	strace s9  }
0x27: {  	s1 =	sld [smem:$0x3FB0]  }
0x28: {  	s2 =	sld [smem:$0x3FB1]  }
0x29: {  	s4 =	sld [smem:$0x3FB3]  }
0x2a: {  	p0 =	seq.s32 s5, $0x0;
	s5 =	sld [smem:$0x3FB4]  }
0x2b: {  	s6 =	sld [smem:$0x3FB5]  }
0x2c: {  	s7 =	sld [smem:$0x3FB6]  }
0x2d: {  	s3 =	simm.s32 $0x108;
	s8 =	sld [smem:$0x3FB7]  }
0x2e: {  	s3 =	simm.s32 @!p0 $0x1082;
	s9 =	sld [smem:$0x3FB8]  }
0x2f: {  	lr =	sadd.s32 s0, s3;
	s0 =	sld [smem:$0x3FAF]  }
0x30: {  	s3 =	sld [smem:$0x3FB2]  }
0x31: {  	[smem:$0x3FBB] =	sst s10  }
0x32: {  	s10 =	sld [smem:$0x3FB9];
	_ =	sdelay $0x3  }
0x33: {  	p0 =	seq.s32 s10, $0x1;
	s10 =	sld [smem:$0x3FBB];
	_ =	sdelay $0x3  }
0x34: {  	[smem:$0x3FBB] =	sst s10  }
0x35: {  	s10 =	sld [smem:$0x3FBA];
	_ =	sdelay $0x3  }
0x36: {  	p1 =	seq.s32 s10, $0x1;
	s10 =	sld [smem:$0x3FBB];
	_ =	sdelay $0x3  }
0x37: {  	[smem:$0x3FBB] =	sst s10  }
0x38: {  	s10 =	sld [smem:$0x3FBC]  }
0x39: {  	_ = 	snop;
	(pc) =	sbr.ind lr, $3  }
0x3a: {  	_ = 	snop  }
0x3b: {  	_ = 	snop  }
0x3c: {  	p2 =	seq.s32 s10, $0x1;
	s10 =	sld [smem:$0x3FBB]  }
0x3d: {  	_ =	shalt  }
0x3e: {  	_ =	shalt  }
0x3f: {  	_ =	shalt  }
0x40: {  	_ =	shalt  }
0x41: {  	_ =	shalt  }
0x42: {  	_ =	shalt  }
0x43: {  	_ =	shalt  }
0x44: {  	_ =	shalt  }
0x45: {  	_ =	shalt  }
0x46: {  	_ =	shalt  }
0x47: {  	_ =	shalt  }
0x48: {  	_ =	shalt  }
0x49: {  	_ =	shalt  }
0x4a: {  	_ =	shalt  }
0x4b: {  	_ =	shalt  }
0x4c: {  	_ =	shalt  }
0x4d: {  	_ =	shalt  }
0x4e: {  	_ =	shalt  }
0x4f: {  	_ =	shalt  }
0x50: {  	_ =	shalt  }
0x51: {  	_ =	shalt  }
0x52: {  	_ =	shalt  }
0x53: {  	_ =	shalt  }
0x54: {  	_ =	shalt  }
0x55: {  	_ =	shalt  }
0x56: {  	_ =	shalt  }
0x57: {  	_ =	shalt  }
0x58: {  	_ =	shalt  }
0x59: {  	_ =	shalt  }
0x5a: {  	_ =	shalt  }
0x5b: {  	_ =	shalt  }
0x5c: {  	_ =	shalt  }
0x5d: {  	_ =	shalt  }
0x5e: {  	_ =	shalt  }
0x5f: {  	_ =	shalt  }
0x60: {  	_ =	shalt  }
0x61: {  	_ =	shalt  }
0x62: {  	_ =	shalt  }
0x63: {  	_ =	shalt  }
0x64: {  	_ =	shalt  }
0x65: {  	_ =	shalt  }
0x66: {  	_ =	shalt  }
0x67: {  	_ =	shalt  }
0x68: {  	_ =	shalt  }
0x69: {  	_ =	shalt  }
0x6a: {  	_ =	shalt  }
0x6b: {  	_ =	shalt  }
0x6c: {  	_ =	shalt  }
0x6d: {  	_ =	shalt  }
0x6e: {  	_ =	shalt  }
0x6f: {  	_ =	shalt  }
0x70: {  	_ =	shalt  }
0x71: {  	_ =	shalt  }
0x72: {  	_ =	shalt  }
0x73: {  	_ =	shalt  }
0x74: {  	_ =	shalt  }
0x75: {  	_ =	shalt  }
0x76: {  	_ =	shalt  }
0x77: {  	_ =	shalt  }
0x78: {  	_ =	shalt  }
0x79: {  	_ =	shalt  }
0x7a: {  	_ =	shalt  }
0x7b: {  	_ =	shalt  }
0x7c: {  	_ =	shalt  }
0x7d: {  	_ =	shalt  }
0x7e: {  	_ =	shalt  }
0x7f: {  	_ =	shalt  }
0x80: {  	_ =	shalt  }
0x81: {  	_ =	shalt  }
0x82: {  	_ =	shalt  }
0x83: {  	_ =	shalt  }
0x84: {  	_ =	shalt  }
0x85: {  	_ =	shalt  }
0x86: {  	_ =	shalt  }
0x87: {  	_ =	shalt  }
.Lfunc_end0:
.L_simem_size_0:
called_computation_lowered:
.L_overlay_start_0:
0x88: {  	s2 =	sld [smem:$0x3FD9]  }
0x89: {  	s3 =	sld [smem:$0x3FFE];
	_ =	sdelay $0x1  }
0x8a: {  	s1 =	srdreg.scid  }
0x8b: {  	s0 =	sand.u32 $0x1, s1  }
0x8c: {  	s18 =	sshll.u32 s0, $0xA;
	s2 =	sadd.s32 s3, s2  }
0x8d: {  	s2 =	sadd.s32 s2, s18  }
0x8e: {  	[smem:$0x3FC7] =	sst s2  }
0x8f: {  	_ = 	snop  }
0x90: {  	s2 =	sld [smem:$0x3FC9]  }
0x91: {  	s19 =	sld [smem:$0x3FD0];
	(tm) =	ssettm $0x1  }
0x92: {  	s4 =	sld [smem:$0x3FFB];
	_ =	sdelay $0x3  }
0x93: {  	_ =	strace s4  }
0x94: {  	s4 =	sld [smem:$0x3FFC];
	_ =	sdelay $0x3  }
0x95: {  	_ =	strace s4  }
0x96: {  	s4 =	sld [smem:$0x3FFD];
	_ =	sdelay $0x3  }
0x97: {  	_ =	strace s4  }
0x98: {  	_ =	strace $0x8FFFFFFF  }
0x99: {  	s20 =	sld [smem:$0x3FDB];
	_ =	sdelay $0x1  }
0x9a: {  	s5 =	simm.s32 $_scs_section_size  }
0x9b: {  	s6 =	simm.s32 $_size__tile_overlayer_lowered;
	s7 =	simm.s32 $_tile_overlayer_lowered  }
0x9c: {  	s23 =	simm.s32 $0x1BFF;
	s22 =	sshll.u32 s7, $0x1;
	s4 =	sadd.s32 s5, s20  }
0x9d: {  	s8 =	simm.s32 $0x0;
	s21 =	sshll.u32 s6, $0x1;
	s6 =	sadd.s32 s22, s4  }
0x9e: {  	[timem:s8], [sflag:s23] =	dma.local [hbm:s6], s21  }
0x9f: {  	_ =	swait.ge [sflag:s23], s21  }
0xa0: {  	s5 =	ssub.s32 $0x0, s21;
	[sflag:s23] =	ssyncset.done $0x0  }
0xa1: {  	[sflag:s23] =	ssyncadd.s32 s5;
	_ =	sdelay $0x1  }
0xa2: {  	s24 =	simm.s32 $0x1B8B  }
0xa3: {  	_ =	swait.ge [sflag:s24], $0x1  }
0xa4: {  	[sflag:s24] =	ssyncset.done $0x0  }
0xa5: {  	s25 =	simm.s32 $0x1B8E;
	[sflag:s24] =	ssyncadd.s32 $0xFFFFFFFF  }
0xa6: {  	s26 =	simm.s32 $execute0_lowered;
	[smem:$0x3FD2] =	sst s25  }
0xa7: {  	s5 =	sshll.u32 s26, $0x1;
	_ =	strace $0x80000046;
	[dreg:$0x1] =	wrdreg $0xFFFFFFFF  }
0xa8: {  	s28 =	simm.s32 $_size_execute0_lowered;
	s4 =	sadd.s32 s4, s5;
	[dreg:$0x0] =	wrdreg $0x0  }
0xa9: {  	s5 =	sshll.u32 s28, $0x1;
	[dreg:$0x2] =	wrdreg s4  }
0xaa: {  	[dreg:$0x3] =	wrdreg s5  }
0xab: {  	[dreg:$0x4] =	wrdreg $0xC0  }
0xac: {  	_ =	task [dreg:s8], $0x5FFFF  }
0xad: {  	[dreg:$0x1] =	wrdreg $0xFFFFFFFF  }
0xae: {  	[dreg:$0x0] =	wrdreg $0x60  }
0xaf: {  	[dreg:$0x2] =	wrdreg s2  }
0xb0: {  	[dreg:$0x3] =	wrdreg s19  }
0xb1: {  	[dreg:$0x4] =	wrdreg $0x9  }
0xb2: {  	_ =	task.clear_ibuf [dreg:s8], $0x5FFFF;
	_ =	strace $0x90000046  }
0xb3: {  	s29 =	simm.s32 $0x9;
	_ =	strace $0x80000048  }
0xb4: {  	_ =	swait.ge [sflag:s29], $0x1  }
0xb5: {  	[sflag:s29] =	ssyncadd.s32 $0xFFFFFFFF  }
0xb6: {  	_ =	strace $0x90000048  }
0xb7: {  	_ =	sfence  }
0xb8: {  	s30 =	sld [smem:$0x0];
	_ =	sdelay $0x2  }
0xb9: {  	s31 =	sshll.u32 s1, $0xD;
	s1 =	sshrl.u32 s1, $0x2  }
0xba: {  	s3 =	sand.u32 $0x4000, s31;
	s1 =	sadd.s32 s1, s30  }
0xbb: {  	s0 =	sor.u32 s3, s0;
	s1 =	sshll.u32 s1, $0x11  }
0xbc: {  	s0 =	sor.u32 s1, s0  }
0xbd: {  	s0 =	sadd.s32 $0x8F2B, s0  }
0xbe: {  	[sflag:s0] =	ssyncadd.remote.s32 $0x1  }
0xbf: {  	_ =	sfence.sel $0xFFFF  }
0xc0: {  	[dreg:$0x0] =	wrdreg $0xFFFFFFFF;
	(pc) =	sbr.abs _section_cstart, $3  }
0xc1: {  	[dreg:$0x1] =	wrdreg $0xFFFFFFFF  }
0xc2: {  	_ =	task.clear_ibuf [dreg:s8], $0x2FFFF;
	_ =	strace $0x9FFFFFFF  }
0xc3: {  	(tm) =	ssettm $0x7FFFFFFF  }
tec
execute0_lowered:
.L_overlay_start_1:
0x0: {  	(tag) =	ssettag $0x1  }
0x1: {  	s0 =	rddreg [dreg:$0x0]  }
0x2: {  	s1 =	rddreg [dreg:$0x1]  }
0x3: {  	s2 =	simm.s32 $0x0;
	s3 =	srdreg.scid;
	s5 =	stileid.u32  }
0x4: {  	p0 =	por $0x0, $0x0;
	[smem:$0x7FF] =	sst s2;
	s3 =	sand.u32 $0x1, s3  }
0x5: {  	s5 =	sshll.u32 s5, $0x10;
	s4 =	ssub.s32 $0x2, s3;
	s3 =	sshll.u32 s3, $0xF  }
0x6: {  	_ =	strace $0x80000047;
	s6 =	sshrl.u32 s4, $0x1;
	s3 =	sor.u32 s3, s5  }
0x7: {  	s4 =	ssub.s32 s4, s6;
	s5 =	sadd.s32 s0, s3;
	s12 =	sor.u32 $0x1C00, s3  }
0x8: {  	s28 =	sadd.s32 s1, s3;
	s14 =	sor.u32 $0x3800, s3;
	s15 =	sor.u32 $0x5400, s3  }
0x9: {  	s3 =	sor.u32 $0x7000, s3;
	[dreg:$0x3] =	wrdreg s5;
	s13 =	sadd.s32 s0, s12  }
0xa: {  	s29 =	sadd.s32 $0x100000, s28;
	s30 =	sadd.s32 $0x200000, s28;
	s31 =	sadd.s32 $0x300000, s28  }
0xb: {  	s21 =	sadd.s32 s0, s14;
	s22 =	sadd.s32 s1, s12;
	s23 =	sadd.s32 $0x101C00, s28  }
0xc: {  	s25 =	sadd.s32 $0x201C00, s28;
	s26 =	sadd.s32 $0x301C00, s28;
	s16 =	sadd.s32 s0, s15  }
0xd: {  	s17 =	sadd.s32 s1, s14;
	s18 =	sadd.s32 $0x103800, s28;
	s19 =	sadd.s32 $0x203800, s28  }
0xe: {  	s20 =	sadd.s32 $0x303800, s28;
	s8 =	sadd.s32 s0, s3;
	s24 =	smax.u32 s4, $0x1  }
0xf: {  	s10 =	sadd.s32 $0x105400, s28;
	s11 =	sadd.s32 $0x205400, s28;
	p1 =	sne.s32 s24, $0x1  }
.Ltmp0:
0x10: {  	s9 =	sadd.s32 s1, s15;
	s12 =	sadd.s32 $0x305400, s28;
	(pc) =	sbr.rel @!p1 .LBB2_3-.Ltmp0, $4  }
0x11: {  	s5 =	sadd.s32 s1, s3;
	s6 =	sadd.s32 $0x107000, s28;
	s7 =	sadd.s32 $0x207000, s28  }
0x12: {  	s14 =	simm.s32 $0x1;
	s15 =	simm.s32 $0xE000;
	s3 =	simm.s32 $0x3  }
0x13: {  	s4 =	simm.s32 $0x4;
	[dreg:$0x4] =	wrdreg s13;
	s0 =	sadd.s32 $0xFFFFFFFF, s24  }
0x14: {  	s13 =	sadd.s32 $0x307000, s28;
	s24 =	simm.s32 $0x2;
	s1 =	rddreg [dreg:$0x3]  }
0x15: {  	[tilespmem:s2], [sflag:$0x1] =	stream.linear.gather [hbm4b:s1+s2], $0xE000, $0x38;
	[tilespmem:$0x1C000] =	vst v63  }
0x16: {  	_ =	swait.ge [sflag:s14], $0xE000  }
0x17: {  	[sflag:s14] =	ssyncset.done $0x0  }
0x18: {  	s1 =	rddreg [dreg:$0x4];
	[sflag:s14] =	ssyncadd.s32 $0xFFFF2000  }
0x19: {  	[tilespmem:s15], [sflag:$0x2] =	stream.linear.gather [hbm4b:s1+s2], $0xE000, $0x38;
	[tilespmem:$0x1C000] =	vst v63  }
0x1a: {  	_ = 	snop  }
0x1b: {  	[hbm4b:s28+s2] =	stream.linear.scatter [tilespmem:s2], [sflag:$0x3], $0xE000, $0x38;
	[tilespmem:$0x1C000] =	vst v63  }
0x1c: {  	_ = 	snop  }
0x1d: {  	[hbm4b:s29+s2] =	stream.linear.scatter [tilespmem:s2], [sflag:$0x3], $0xE000, $0x38;
	[tilespmem:$0x1C000] =	vst v63  }
0x1e: {  	_ = 	snop  }
0x1f: {  	[hbm4b:s30+s2] =	stream.linear.scatter [tilespmem:s2], [sflag:$0x3], $0xE000, $0x38;
	[tilespmem:$0x1C000] =	vst v63  }
0x20: {  	_ = 	snop  }
0x21: {  	[hbm4b:s31+s2] =	stream.linear.scatter [tilespmem:s2], [sflag:$0x3], $0xE000, $0x38;
	[tilespmem:$0x1C000] =	vst v63  }
0x22: {  	_ =	swait.ge [sflag:s24], $0xE000  }
0x23: {  	[sflag:s24] =	ssyncset.done $0x0  }
0x24: {  	[sflag:s24] =	ssyncadd.s32 $0xFFFF2000  }
0x25: {  	_ =	swait.ge [sflag:s3], $0xE000  }
0x26: {  	[sflag:s3] =	ssyncset.done $0x0  }
0x27: {  	[sflag:s3] =	ssyncadd.s32 $0xFFFF2000  }
0x28: {  	_ =	swait.ge [sflag:s3], $0xE000  }
0x29: {  	[sflag:s3] =	ssyncset.done $0x0  }
0x2a: {  	[sflag:s3] =	ssyncadd.s32 $0xFFFF2000  }
0x2b: {  	_ =	swait.ge [sflag:s3], $0xE000  }
0x2c: {  	[sflag:s3] =	ssyncset.done $0x0  }
0x2d: {  	[sflag:s3] =	ssyncadd.s32 $0xFFFF2000  }
0x2e: {  	_ =	swait.ge [sflag:s3], $0xE000  }
0x2f: {  	[sflag:s3] =	ssyncset.done $0x0  }
0x30: {  	[sflag:s3] =	ssyncadd.s32 $0xFFFF2000  }
0x31: {  	[tilespmem:s2], [sflag:$0x1] =	stream.linear.gather [hbm4b:s21+s2], $0xE000, $0x38;
	[tilespmem:$0x1C000] =	vst v63  }
0x32: {  	_ = 	snop  }
0x33: {  	[hbm4b:s22+s2] =	stream.linear.scatter [tilespmem:s15], [sflag:$0x4], $0xE000, $0x38;
	[tilespmem:$0x1C000] =	vst v63  }
0x34: {  	_ = 	snop  }
0x35: {  	[hbm4b:s23+s2] =	stream.linear.scatter [tilespmem:s15], [sflag:$0x4], $0xE000, $0x38;
	[tilespmem:$0x1C000] =	vst v63  }
0x36: {  	_ = 	snop  }
0x37: {  	[hbm4b:s25+s2] =	stream.linear.scatter [tilespmem:s15], [sflag:$0x4], $0xE000, $0x38;
	[tilespmem:$0x1C000] =	vst v63  }
0x38: {  	_ = 	snop  }
0x39: {  	[hbm4b:s26+s2] =	stream.linear.scatter [tilespmem:s15], [sflag:$0x4], $0xE000, $0x38;
	[tilespmem:$0x1C000] =	vst v63  }
0x3a: {  	_ =	swait.ge [sflag:s14], $0xE000  }
0x3b: {  	[sflag:s14] =	ssyncset.done $0x0  }
0x3c: {  	[sflag:s14] =	ssyncadd.s32 $0xFFFF2000  }
0x3d: {  	_ =	swait.ge [sflag:s4], $0xE000  }
0x3e: {  	[sflag:s4] =	ssyncset.done $0x0  }
0x3f: {  	[sflag:s4] =	ssyncadd.s32 $0xFFFF2000  }
0x40: {  	_ =	swait.ge [sflag:s4], $0xE000  }
0x41: {  	[sflag:s4] =	ssyncset.done $0x0  }
0x42: {  	[sflag:s4] =	ssyncadd.s32 $0xFFFF2000  }
0x43: {  	_ =	swait.ge [sflag:s4], $0xE000  }
0x44: {  	[sflag:s4] =	ssyncset.done $0x0  }
0x45: {  	[sflag:s4] =	ssyncadd.s32 $0xFFFF2000  }
0x46: {  	_ =	swait.ge [sflag:s4], $0xE000  }
0x47: {  	[sflag:s4] =	ssyncset.done $0x0  }
0x48: {  	[sflag:s4] =	ssyncadd.s32 $0xFFFF2000  }
0x49: {  	[tilespmem:s15], [sflag:$0x2] =	stream.linear.gather [hbm4b:s16+s2], $0xE000, $0x38;
	[tilespmem:$0x1C000] =	vst v63  }
0x4a: {  	_ = 	snop  }
0x4b: {  	[hbm4b:s17+s2] =	stream.linear.scatter [tilespmem:s2], [sflag:$0x3], $0xE000, $0x38;
	[tilespmem:$0x1C000] =	vst v63  }
0x4c: {  	_ = 	snop  }
0x4d: {  	[hbm4b:s18+s2] =	stream.linear.scatter [tilespmem:s2], [sflag:$0x3], $0xE000, $0x38;
	[tilespmem:$0x1C000] =	vst v63  }
0x4e: {  	_ = 	snop  }
0x4f: {  	[hbm4b:s19+s2] =	stream.linear.scatter [tilespmem:s2], [sflag:$0x3], $0xE000, $0x38;
	[tilespmem:$0x1C000] =	vst v63  }
0x50: {  	_ = 	snop  }
0x51: {  	[hbm4b:s20+s2] =	stream.linear.scatter [tilespmem:s2], [sflag:$0x3], $0xE000, $0x38;
	[tilespmem:$0x1C000] =	vst v63  }
0x52: {  	_ =	swait.ge [sflag:s24], $0xE000  }
0x53: {  	[sflag:s24] =	ssyncset.done $0x0  }
0x54: {  	[sflag:s24] =	ssyncadd.s32 $0xFFFF2000  }
0x55: {  	_ =	swait.ge [sflag:s3], $0xE000  }
0x56: {  	[sflag:s3] =	ssyncset.done $0x0  }
0x57: {  	[sflag:s3] =	ssyncadd.s32 $0xFFFF2000  }
0x58: {  	_ =	swait.ge [sflag:s3], $0xE000  }
0x59: {  	[sflag:s3] =	ssyncset.done $0x0  }
0x5a: {  	[sflag:s3] =	ssyncadd.s32 $0xFFFF2000  }
0x5b: {  	_ =	swait.ge [sflag:s3], $0xE000  }
0x5c: {  	[sflag:s3] =	ssyncset.done $0x0  }
0x5d: {  	[sflag:s3] =	ssyncadd.s32 $0xFFFF2000  }
0x5e: {  	_ =	swait.ge [sflag:s3], $0xE000  }
0x5f: {  	[sflag:s3] =	ssyncset.done $0x0  }
0x60: {  	[sflag:s3] =	ssyncadd.s32 $0xFFFF2000  }
0x61: {  	[tilespmem:s2], [sflag:$0x1] =	stream.linear.gather [hbm4b:s8+s2], $0x8000, $0x38;
	[tilespmem:$0x1C000] =	vst v63  }
0x62: {  	_ = 	snop  }
0x63: {  	[hbm4b:s9+s2] =	stream.linear.scatter [tilespmem:s15], [sflag:$0x4], $0xE000, $0x38;
	[tilespmem:$0x1C000] =	vst v63  }
0x64: {  	_ = 	snop  }
0x65: {  	[hbm4b:s10+s2] =	stream.linear.scatter [tilespmem:s15], [sflag:$0x4], $0xE000, $0x38;
	[tilespmem:$0x1C000] =	vst v63  }
0x66: {  	_ = 	snop  }
0x67: {  	[hbm4b:s11+s2] =	stream.linear.scatter [tilespmem:s15], [sflag:$0x4], $0xE000, $0x38;
	[tilespmem:$0x1C000] =	vst v63  }
0x68: {  	_ = 	snop  }
0x69: {  	[hbm4b:s12+s2] =	stream.linear.scatter [tilespmem:s15], [sflag:$0x4], $0xE000, $0x38;
	[tilespmem:$0x1C000] =	vst v63  }
0x6a: {  	_ =	swait.ge [sflag:s14], $0x8000  }
0x6b: {  	[sflag:s14] =	ssyncset.done $0x0  }
0x6c: {  	[sflag:s14] =	ssyncadd.s32 $0xFFFF8000  }
0x6d: {  	[hbm4b:s5+s2] =	stream.linear.scatter [tilespmem:s2], [sflag:$0x3], $0x8000, $0x38;
	[tilespmem:$0x1C000] =	vst v63  }
0x6e: {  	_ = 	snop  }
0x6f: {  	[hbm4b:s6+s2] =	stream.linear.scatter [tilespmem:s2], [sflag:$0x3], $0x8000, $0x38;
	[tilespmem:$0x1C000] =	vst v63  }
0x70: {  	_ = 	snop  }
0x71: {  	[hbm4b:s7+s2] =	stream.linear.scatter [tilespmem:s2], [sflag:$0x3], $0x8000, $0x38;
	[tilespmem:$0x1C000] =	vst v63  }
0x72: {  	_ = 	snop  }
0x73: {  	[hbm4b:s13+s2] =	stream.linear.scatter [tilespmem:s2], [sflag:$0x3], $0x8000, $0x38;
	[tilespmem:$0x1C000] =	vst v63  }
0x74: {  	_ =	swait.ge [sflag:s4], $0xE000  }
0x75: {  	[sflag:s4] =	ssyncset.done $0x0  }
0x76: {  	[sflag:s4] =	ssyncadd.s32 $0xFFFF2000  }
0x77: {  	_ =	swait.ge [sflag:s4], $0xE000  }
0x78: {  	[sflag:s4] =	ssyncset.done $0x0  }
0x79: {  	[sflag:s4] =	ssyncadd.s32 $0xFFFF2000  }
0x7a: {  	_ =	swait.ge [sflag:s4], $0xE000  }
0x7b: {  	[sflag:s4] =	ssyncset.done $0x0  }
0x7c: {  	[sflag:s4] =	ssyncadd.s32 $0xFFFF2000  }
0x7d: {  	_ =	swait.ge [sflag:s4], $0xE000  }
0x7e: {  	[sflag:s4] =	ssyncset.done $0x0  }
0x7f: {  	[sflag:s4] =	ssyncadd.s32 $0xFFFF2000  }
0x80: {  	_ =	swait.ge [sflag:s3], $0x8000  }
0x81: {  	[sflag:s3] =	ssyncset.done $0x0  }
0x82: {  	[sflag:s3] =	ssyncadd.s32 $0xFFFF8000  }
0x83: {  	_ =	swait.ge [sflag:s3], $0x8000  }
0x84: {  	[sflag:s3] =	ssyncset.done $0x0  }
0x85: {  	p1 =	sne.s32 s0, $0x1;
	[sflag:s3] =	ssyncadd.s32 $0xFFFF8000  }
.Ltmp1:
0x86: {  	_ =	swait.ge [sflag:s3], $0x8000;
	(pc) =	sbr.rel @!p1 .LBB2_3-.Ltmp1, $4  }
0x87: {  	[sflag:s3] =	ssyncset.done $0x0  }
0x88: {  	[sflag:s3] =	ssyncadd.s32 $0xFFFF8000  }
0x89: {  	s0 =	sadd.s32 $0xFFFFFFFF, s0;
	_ =	swait.ge [sflag:s3], $0x8000  }
0x8a: {  	p0 =	por $0x1, $0x1;
	s1 =	rddreg [dreg:$0x3];
	[sflag:s3] =	ssyncset.done $0x0  }
.LBB2_2:
0x8b: {  	[sflag:s3] =	ssyncadd.s32 $0xFFFF8000  }
0x8c: {  	[tilespmem:s2], [sflag:$0x1] =	stream.linear.gather [hbm4b:s1+s2], $0xE000, $0x38;
	[tilespmem:$0x1C000] =	vst v63  }
0x8d: {  	_ =	swait.ge [sflag:s14], $0xE000  }
0x8e: {  	[sflag:s14] =	ssyncset.done $0x0  }
0x8f: {  	s1 =	rddreg [dreg:$0x4];
	[sflag:s14] =	ssyncadd.s32 $0xFFFF2000  }
0x90: {  	[tilespmem:s15], [sflag:$0x2] =	stream.linear.gather [hbm4b:s1+s2], $0xE000, $0x38;
	[tilespmem:$0x1C000] =	vst v63  }
0x91: {  	_ = 	snop  }
0x92: {  	[hbm4b:s28+s2] =	stream.linear.scatter [tilespmem:s2], [sflag:$0x3], $0xE000, $0x38;
	[tilespmem:$0x1C000] =	vst v63  }
0x93: {  	_ = 	snop  }
0x94: {  	[hbm4b:s29+s2] =	stream.linear.scatter [tilespmem:s2], [sflag:$0x3], $0xE000, $0x38;
	[tilespmem:$0x1C000] =	vst v63  }
0x95: {  	_ = 	snop  }
0x96: {  	[hbm4b:s30+s2] =	stream.linear.scatter [tilespmem:s2], [sflag:$0x3], $0xE000, $0x38;
	[tilespmem:$0x1C000] =	vst v63  }
0x97: {  	_ = 	snop  }
0x98: {  	[hbm4b:s31+s2] =	stream.linear.scatter [tilespmem:s2], [sflag:$0x3], $0xE000, $0x38;
	[tilespmem:$0x1C000] =	vst v63  }
0x99: {  	_ =	swait.ge [sflag:s24], $0xE000  }
0x9a: {  	[sflag:s24] =	ssyncset.done $0x0  }
0x9b: {  	[sflag:s24] =	ssyncadd.s32 $0xFFFF2000  }
0x9c: {  	_ =	swait.ge [sflag:s3], $0xE000  }
0x9d: {  	[sflag:s3] =	ssyncset.done $0x0  }
0x9e: {  	[sflag:s3] =	ssyncadd.s32 $0xFFFF2000  }
0x9f: {  	_ =	swait.ge [sflag:s3], $0xE000  }
0xa0: {  	[sflag:s3] =	ssyncset.done $0x0  }
0xa1: {  	[sflag:s3] =	ssyncadd.s32 $0xFFFF2000  }
0xa2: {  	_ =	swait.ge [sflag:s3], $0xE000  }
0xa3: {  	[sflag:s3] =	ssyncset.done $0x0  }
0xa4: {  	[sflag:s3] =	ssyncadd.s32 $0xFFFF2000  }
0xa5: {  	_ =	swait.ge [sflag:s3], $0xE000  }
0xa6: {  	[sflag:s3] =	ssyncset.done $0x0  }
0xa7: {  	[sflag:s3] =	ssyncadd.s32 $0xFFFF2000  }
0xa8: {  	[tilespmem:s2], [sflag:$0x1] =	stream.linear.gather [hbm4b:s21+s2], $0xE000, $0x38;
	[tilespmem:$0x1C000] =	vst v63  }
0xa9: {  	_ = 	snop  }
0xaa: {  	[hbm4b:s22+s2] =	stream.linear.scatter [tilespmem:s15], [sflag:$0x4], $0xE000, $0x38;
	[tilespmem:$0x1C000] =	vst v63  }
0xab: {  	_ = 	snop  }
0xac: {  	[hbm4b:s23+s2] =	stream.linear.scatter [tilespmem:s15], [sflag:$0x4], $0xE000, $0x38;
	[tilespmem:$0x1C000] =	vst v63  }
0xad: {  	_ = 	snop  }
0xae: {  	[hbm4b:s25+s2] =	stream.linear.scatter [tilespmem:s15], [sflag:$0x4], $0xE000, $0x38;
	[tilespmem:$0x1C000] =	vst v63  }
0xaf: {  	_ = 	snop  }
0xb0: {  	[hbm4b:s26+s2] =	stream.linear.scatter [tilespmem:s15], [sflag:$0x4], $0xE000, $0x38;
	[tilespmem:$0x1C000] =	vst v63  }
0xb1: {  	_ =	swait.ge [sflag:s14], $0xE000  }
0xb2: {  	[sflag:s14] =	ssyncset.done $0x0  }
0xb3: {  	[sflag:s14] =	ssyncadd.s32 $0xFFFF2000  }
0xb4: {  	_ =	swait.ge [sflag:s4], $0xE000  }
0xb5: {  	[sflag:s4] =	ssyncset.done $0x0  }
0xb6: {  	[sflag:s4] =	ssyncadd.s32 $0xFFFF2000  }
0xb7: {  	_ =	swait.ge [sflag:s4], $0xE000  }
0xb8: {  	[sflag:s4] =	ssyncset.done $0x0  }
0xb9: {  	[sflag:s4] =	ssyncadd.s32 $0xFFFF2000  }
0xba: {  	_ =	swait.ge [sflag:s4], $0xE000  }
0xbb: {  	[sflag:s4] =	ssyncset.done $0x0  }
0xbc: {  	[sflag:s4] =	ssyncadd.s32 $0xFFFF2000  }
0xbd: {  	_ =	swait.ge [sflag:s4], $0xE000  }
0xbe: {  	[sflag:s4] =	ssyncset.done $0x0  }
0xbf: {  	[sflag:s4] =	ssyncadd.s32 $0xFFFF2000  }
0xc0: {  	[tilespmem:s15], [sflag:$0x2] =	stream.linear.gather [hbm4b:s16+s2], $0xE000, $0x38;
	[tilespmem:$0x1C000] =	vst v63  }
0xc1: {  	_ = 	snop  }
0xc2: {  	[hbm4b:s17+s2] =	stream.linear.scatter [tilespmem:s2], [sflag:$0x3], $0xE000, $0x38;
	[tilespmem:$0x1C000] =	vst v63  }
0xc3: {  	_ = 	snop  }
0xc4: {  	[hbm4b:s18+s2] =	stream.linear.scatter [tilespmem:s2], [sflag:$0x3], $0xE000, $0x38;
	[tilespmem:$0x1C000] =	vst v63  }
0xc5: {  	_ = 	snop  }
0xc6: {  	[hbm4b:s19+s2] =	stream.linear.scatter [tilespmem:s2], [sflag:$0x3], $0xE000, $0x38;
	[tilespmem:$0x1C000] =	vst v63  }
0xc7: {  	_ = 	snop  }
0xc8: {  	[hbm4b:s20+s2] =	stream.linear.scatter [tilespmem:s2], [sflag:$0x3], $0xE000, $0x38;
	[tilespmem:$0x1C000] =	vst v63  }
0xc9: {  	_ =	swait.ge [sflag:s24], $0xE000  }
0xca: {  	[sflag:s24] =	ssyncset.done $0x0  }
0xcb: {  	[sflag:s24] =	ssyncadd.s32 $0xFFFF2000  }
0xcc: {  	_ =	swait.ge [sflag:s3], $0xE000  }
0xcd: {  	[sflag:s3] =	ssyncset.done $0x0  }
0xce: {  	[sflag:s3] =	ssyncadd.s32 $0xFFFF2000  }
0xcf: {  	_ =	swait.ge [sflag:s3], $0xE000  }
0xd0: {  	[sflag:s3] =	ssyncset.done $0x0  }
0xd1: {  	[sflag:s3] =	ssyncadd.s32 $0xFFFF2000  }
0xd2: {  	_ =	swait.ge [sflag:s3], $0xE000  }
0xd3: {  	[sflag:s3] =	ssyncset.done $0x0  }
0xd4: {  	[sflag:s3] =	ssyncadd.s32 $0xFFFF2000  }
0xd5: {  	_ =	swait.ge [sflag:s3], $0xE000  }
0xd6: {  	[sflag:s3] =	ssyncset.done $0x0  }
0xd7: {  	[sflag:s3] =	ssyncadd.s32 $0xFFFF2000  }
0xd8: {  	[tilespmem:s2], [sflag:$0x1] =	stream.linear.gather [hbm4b:s8+s2], $0x8000, $0x38;
	[tilespmem:$0x1C000] =	vst v63  }
0xd9: {  	_ = 	snop  }
0xda: {  	[hbm4b:s9+s2] =	stream.linear.scatter [tilespmem:s15], [sflag:$0x4], $0xE000, $0x38;
	[tilespmem:$0x1C000] =	vst v63  }
0xdb: {  	_ = 	snop  }
0xdc: {  	[hbm4b:s10+s2] =	stream.linear.scatter [tilespmem:s15], [sflag:$0x4], $0xE000, $0x38;
	[tilespmem:$0x1C000] =	vst v63  }
0xdd: {  	_ = 	snop  }
0xde: {  	[hbm4b:s11+s2] =	stream.linear.scatter [tilespmem:s15], [sflag:$0x4], $0xE000, $0x38;
	[tilespmem:$0x1C000] =	vst v63  }
0xdf: {  	_ = 	snop  }
0xe0: {  	[hbm4b:s12+s2] =	stream.linear.scatter [tilespmem:s15], [sflag:$0x4], $0xE000, $0x38;
	[tilespmem:$0x1C000] =	vst v63  }
0xe1: {  	_ =	swait.ge [sflag:s14], $0x8000  }
0xe2: {  	[sflag:s14] =	ssyncset.done $0x0  }
0xe3: {  	[sflag:s14] =	ssyncadd.s32 $0xFFFF8000  }
0xe4: {  	[hbm4b:s5+s2] =	stream.linear.scatter [tilespmem:s2], [sflag:$0x3], $0x8000, $0x38;
	[tilespmem:$0x1C000] =	vst v63  }
0xe5: {  	_ = 	snop  }
0xe6: {  	[hbm4b:s6+s2] =	stream.linear.scatter [tilespmem:s2], [sflag:$0x3], $0x8000, $0x38;
	[tilespmem:$0x1C000] =	vst v63  }
0xe7: {  	_ = 	snop  }
0xe8: {  	[hbm4b:s7+s2] =	stream.linear.scatter [tilespmem:s2], [sflag:$0x3], $0x8000, $0x38;
	[tilespmem:$0x1C000] =	vst v63  }
0xe9: {  	_ = 	snop  }
0xea: {  	[hbm4b:s13+s2] =	stream.linear.scatter [tilespmem:s2], [sflag:$0x3], $0x8000, $0x38;
	[tilespmem:$0x1C000] =	vst v63  }
0xeb: {  	_ =	swait.ge [sflag:s4], $0xE000  }
0xec: {  	[sflag:s4] =	ssyncset.done $0x0  }
0xed: {  	[sflag:s4] =	ssyncadd.s32 $0xFFFF2000  }
0xee: {  	_ =	swait.ge [sflag:s4], $0xE000  }
0xef: {  	[sflag:s4] =	ssyncset.done $0x0  }
0xf0: {  	[sflag:s4] =	ssyncadd.s32 $0xFFFF2000  }
0xf1: {  	_ =	swait.ge [sflag:s4], $0xE000  }
0xf2: {  	[sflag:s4] =	ssyncset.done $0x0  }
0xf3: {  	[sflag:s4] =	ssyncadd.s32 $0xFFFF2000  }
0xf4: {  	_ =	swait.ge [sflag:s4], $0xE000  }
0xf5: {  	[sflag:s4] =	ssyncset.done $0x0  }
0xf6: {  	[sflag:s4] =	ssyncadd.s32 $0xFFFF2000  }
0xf7: {  	_ =	swait.ge [sflag:s3], $0x8000  }
0xf8: {  	[sflag:s3] =	ssyncset.done $0x0  }
0xf9: {  	[sflag:s3] =	ssyncadd.s32 $0xFFFF8000  }
0xfa: {  	_ =	swait.ge [sflag:s3], $0x8000  }
0xfb: {  	[sflag:s3] =	ssyncset.done $0x0  }
0xfc: {  	p1 =	sne.s32 s0, $0x1;
	[sflag:s3] =	ssyncadd.s32 $0xFFFF8000  }
.Ltmp2:
0xfd: {  	_ =	swait.ge [sflag:s3], $0x8000;
	(pc) =	sbr.rel @p1 .LBB2_2-.Ltmp2, $4  }
0xfe: {  	[sflag:s3] =	ssyncset.done $0x0  }
0xff: {  	[sflag:s3] =	ssyncadd.s32 $0xFFFF8000  }
0x100: {  	_ =	swait.ge [sflag:s3], $0x8000  }
0x101: {  	s0 =	sadd.s32 $0xFFFFFFFF, s0;
	s1 =	rddreg [dreg:$0x3];
	[sflag:s3] =	ssyncset.done $0x0  }
.LBB2_3:
0x102: {  	[sflag:s3] =	ssyncadd.s32 @p0 $0xFFFF8000  }
0x103: {  	[tilespmem:s2], [sflag:$0x1] =	stream.linear.gather [hbm4b:s1+s2], $0xE000, $0x38;
	[tilespmem:$0x1C000] =	vst v63  }
0x104: {  	_ =	swait.ge [sflag:s14], $0xE000  }
0x105: {  	[sflag:s14] =	ssyncset.done $0x0  }
0x106: {  	s0 =	rddreg [dreg:$0x4];
	[sflag:s14] =	ssyncadd.s32 $0xFFFF2000  }
0x107: {  	[tilespmem:s15], [sflag:$0x2] =	stream.linear.gather [hbm4b:s0+s2], $0xE000, $0x38;
	[tilespmem:$0x1C000] =	vst v63  }
0x108: {  	_ = 	snop  }
0x109: {  	[hbm4b:s28+s2] =	stream.linear.scatter [tilespmem:s2], [sflag:$0x3], $0xE000, $0x38;
	[tilespmem:$0x1C000] =	vst v63  }
0x10a: {  	_ = 	snop  }
0x10b: {  	[hbm4b:s29+s2] =	stream.linear.scatter [tilespmem:s2], [sflag:$0x3], $0xE000, $0x38;
	[tilespmem:$0x1C000] =	vst v63  }
0x10c: {  	_ = 	snop  }
0x10d: {  	[hbm4b:s30+s2] =	stream.linear.scatter [tilespmem:s2], [sflag:$0x3], $0xE000, $0x38;
	[tilespmem:$0x1C000] =	vst v63  }
0x10e: {  	_ = 	snop  }
0x10f: {  	[hbm4b:s31+s2] =	stream.linear.scatter [tilespmem:s2], [sflag:$0x3], $0xE000, $0x38;
	[tilespmem:$0x1C000] =	vst v63  }
0x110: {  	_ =	swait.ge [sflag:s24], $0xE000  }
0x111: {  	[sflag:s24] =	ssyncset.done $0x0  }
0x112: {  	[sflag:s24] =	ssyncadd.s32 $0xFFFF2000  }
0x113: {  	_ =	swait.ge [sflag:s3], $0xE000  }
0x114: {  	[sflag:s3] =	ssyncset.done $0x0  }
0x115: {  	[sflag:s3] =	ssyncadd.s32 $0xFFFF2000  }
0x116: {  	_ =	swait.ge [sflag:s3], $0xE000  }
0x117: {  	[sflag:s3] =	ssyncset.done $0x0  }
0x118: {  	[sflag:s3] =	ssyncadd.s32 $0xFFFF2000  }
0x119: {  	_ =	swait.ge [sflag:s3], $0xE000  }
0x11a: {  	[sflag:s3] =	ssyncset.done $0x0  }
0x11b: {  	[sflag:s3] =	ssyncadd.s32 $0xFFFF2000  }
0x11c: {  	_ =	swait.ge [sflag:s3], $0xE000  }
0x11d: {  	[sflag:s3] =	ssyncset.done $0x0  }
0x11e: {  	[sflag:s3] =	ssyncadd.s32 $0xFFFF2000  }
0x11f: {  	[tilespmem:s2], [sflag:$0x1] =	stream.linear.gather [hbm4b:s21+s2], $0xE000, $0x38;
	[tilespmem:$0x1C000] =	vst v63  }
0x120: {  	_ = 	snop  }
0x121: {  	[hbm4b:s22+s2] =	stream.linear.scatter [tilespmem:s15], [sflag:$0x4], $0xE000, $0x38;
	[tilespmem:$0x1C000] =	vst v63  }
0x122: {  	_ = 	snop  }
0x123: {  	[hbm4b:s23+s2] =	stream.linear.scatter [tilespmem:s15], [sflag:$0x4], $0xE000, $0x38;
	[tilespmem:$0x1C000] =	vst v63  }
0x124: {  	_ = 	snop  }
0x125: {  	[hbm4b:s25+s2] =	stream.linear.scatter [tilespmem:s15], [sflag:$0x4], $0xE000, $0x38;
	[tilespmem:$0x1C000] =	vst v63  }
0x126: {  	_ = 	snop  }
0x127: {  	[hbm4b:s26+s2] =	stream.linear.scatter [tilespmem:s15], [sflag:$0x4], $0xE000, $0x38;
	[tilespmem:$0x1C000] =	vst v63  }
0x128: {  	_ =	swait.ge [sflag:s14], $0xE000  }
0x129: {  	[sflag:s14] =	ssyncset.done $0x0  }
0x12a: {  	[sflag:s14] =	ssyncadd.s32 $0xFFFF2000  }
0x12b: {  	_ =	swait.ge [sflag:s4], $0xE000  }
0x12c: {  	[sflag:s4] =	ssyncset.done $0x0  }
0x12d: {  	[sflag:s4] =	ssyncadd.s32 $0xFFFF2000  }
0x12e: {  	_ =	swait.ge [sflag:s4], $0xE000  }
0x12f: {  	[sflag:s4] =	ssyncset.done $0x0  }
0x130: {  	[sflag:s4] =	ssyncadd.s32 $0xFFFF2000  }
0x131: {  	_ =	swait.ge [sflag:s4], $0xE000  }
0x132: {  	[sflag:s4] =	ssyncset.done $0x0  }
0x133: {  	[sflag:s4] =	ssyncadd.s32 $0xFFFF2000  }
0x134: {  	_ =	swait.ge [sflag:s4], $0xE000  }
0x135: {  	[sflag:s4] =	ssyncset.done $0x0  }
0x136: {  	[sflag:s4] =	ssyncadd.s32 $0xFFFF2000  }
0x137: {  	[tilespmem:s15], [sflag:$0x2] =	stream.linear.gather [hbm4b:s16+s2], $0xE000, $0x38;
	[tilespmem:$0x1C000] =	vst v63  }
0x138: {  	_ = 	snop  }
0x139: {  	[hbm4b:s17+s2] =	stream.linear.scatter [tilespmem:s2], [sflag:$0x3], $0xE000, $0x38;
	[tilespmem:$0x1C000] =	vst v63  }
0x13a: {  	_ = 	snop  }
0x13b: {  	[hbm4b:s18+s2] =	stream.linear.scatter [tilespmem:s2], [sflag:$0x3], $0xE000, $0x38;
	[tilespmem:$0x1C000] =	vst v63  }
0x13c: {  	_ = 	snop  }
0x13d: {  	[hbm4b:s19+s2] =	stream.linear.scatter [tilespmem:s2], [sflag:$0x3], $0xE000, $0x38;
	[tilespmem:$0x1C000] =	vst v63  }
0x13e: {  	_ = 	snop  }
0x13f: {  	[hbm4b:s20+s2] =	stream.linear.scatter [tilespmem:s2], [sflag:$0x3], $0xE000, $0x38;
	[tilespmem:$0x1C000] =	vst v63  }
0x140: {  	_ =	swait.ge [sflag:s24], $0xE000  }
0x141: {  	[sflag:s24] =	ssyncset.done $0x0  }
0x142: {  	[sflag:s24] =	ssyncadd.s32 $0xFFFF2000  }
0x143: {  	_ =	swait.ge [sflag:s3], $0xE000  }
0x144: {  	[sflag:s3] =	ssyncset.done $0x0  }
0x145: {  	[sflag:s3] =	ssyncadd.s32 $0xFFFF2000  }
0x146: {  	_ =	swait.ge [sflag:s3], $0xE000  }
0x147: {  	[sflag:s3] =	ssyncset.done $0x0  }
0x148: {  	[sflag:s3] =	ssyncadd.s32 $0xFFFF2000  }
0x149: {  	_ =	swait.ge [sflag:s3], $0xE000  }
0x14a: {  	[sflag:s3] =	ssyncset.done $0x0  }
0x14b: {  	[sflag:s3] =	ssyncadd.s32 $0xFFFF2000  }
0x14c: {  	_ =	swait.ge [sflag:s3], $0xE000  }
0x14d: {  	[sflag:s3] =	ssyncset.done $0x0  }
0x14e: {  	[sflag:s3] =	ssyncadd.s32 $0xFFFF2000  }
0x14f: {  	[tilespmem:s2], [sflag:$0x1] =	stream.linear.gather [hbm4b:s8+s2], $0x8000, $0x38;
	[tilespmem:$0x1C000] =	vst v63  }
0x150: {  	_ = 	snop  }
0x151: {  	[hbm4b:s9+s2] =	stream.linear.scatter [tilespmem:s15], [sflag:$0x4], $0xE000, $0x38;
	[tilespmem:$0x1C000] =	vst v63  }
0x152: {  	_ = 	snop  }
0x153: {  	[hbm4b:s10+s2] =	stream.linear.scatter [tilespmem:s15], [sflag:$0x4], $0xE000, $0x38;
	[tilespmem:$0x1C000] =	vst v63  }
0x154: {  	_ = 	snop  }
0x155: {  	[hbm4b:s11+s2] =	stream.linear.scatter [tilespmem:s15], [sflag:$0x4], $0xE000, $0x38;
	[tilespmem:$0x1C000] =	vst v63  }
0x156: {  	_ = 	snop  }
0x157: {  	[hbm4b:s12+s2] =	stream.linear.scatter [tilespmem:s15], [sflag:$0x4], $0xE000, $0x38;
	[tilespmem:$0x1C000] =	vst v63  }
0x158: {  	_ =	swait.ge [sflag:s14], $0x8000  }
0x159: {  	[sflag:s14] =	ssyncset.done $0x0  }
0x15a: {  	[sflag:s14] =	ssyncadd.s32 $0xFFFF8000  }
0x15b: {  	[hbm4b:s5+s2] =	stream.linear.scatter [tilespmem:s2], [sflag:$0x3], $0x8000, $0x38;
	[tilespmem:$0x1C000] =	vst v63  }
0x15c: {  	_ = 	snop  }
0x15d: {  	[hbm4b:s6+s2] =	stream.linear.scatter [tilespmem:s2], [sflag:$0x3], $0x8000, $0x38;
	[tilespmem:$0x1C000] =	vst v63  }
0x15e: {  	_ = 	snop  }
0x15f: {  	[hbm4b:s7+s2] =	stream.linear.scatter [tilespmem:s2], [sflag:$0x3], $0x8000, $0x38;
	[tilespmem:$0x1C000] =	vst v63  }
0x160: {  	_ = 	snop  }
0x161: {  	[hbm4b:s13+s2] =	stream.linear.scatter [tilespmem:s2], [sflag:$0x3], $0x8000, $0x38;
	[tilespmem:$0x1C000] =	vst v63  }
0x162: {  	_ =	swait.ge [sflag:s4], $0xE000  }
0x163: {  	[sflag:s4] =	ssyncset.done $0x0  }
0x164: {  	[sflag:s4] =	ssyncadd.s32 $0xFFFF2000  }
0x165: {  	_ =	swait.ge [sflag:s4], $0xE000  }
0x166: {  	[sflag:s4] =	ssyncset.done $0x0  }
0x167: {  	[sflag:s4] =	ssyncadd.s32 $0xFFFF2000  }
0x168: {  	_ =	swait.ge [sflag:s4], $0xE000  }
0x169: {  	[sflag:s4] =	ssyncset.done $0x0  }
0x16a: {  	[sflag:s4] =	ssyncadd.s32 $0xFFFF2000  }
0x16b: {  	_ =	swait.ge [sflag:s4], $0xE000  }
0x16c: {  	[sflag:s4] =	ssyncset.done $0x0  }
0x16d: {  	[sflag:s4] =	ssyncadd.s32 $0xFFFF2000  }
0x16e: {  	_ =	swait.ge [sflag:s3], $0x8000  }
0x16f: {  	[sflag:s3] =	ssyncset.done $0x0  }
0x170: {  	[sflag:s3] =	ssyncadd.s32 $0xFFFF8000  }
0x171: {  	_ =	swait.ge [sflag:s3], $0x8000  }
0x172: {  	[sflag:s3] =	ssyncset.done $0x0  }
0x173: {  	[sflag:s3] =	ssyncadd.s32 $0xFFFF8000  }
0x174: {  	_ =	swait.ge [sflag:s3], $0x8000  }
0x175: {  	[sflag:s3] =	ssyncset.done $0x0  }
0x176: {  	[sflag:s3] =	ssyncadd.s32 $0xFFFF8000  }
0x177: {  	_ =	swait.ge [sflag:s3], $0x8000  }
0x178: {  	[sflag:s3] =	ssyncset.done $0x0  }
0x179: {  	[sflag:s3] =	ssyncadd.s32 $0xFFFF8000  }
0x17a: {  	_ =	sfence.sel $0x180000  }
0x17b: {  	[bflag:$0x0] =	sbarrier.arrive $0xFFFF  }
0x17c: {  	_ =	strace $0x90000047  }
0x17d: {  	s31 =	stileid.u32;
	[bflag:$0x2] =	sbarrier.arrive $0xFFFF  }
0x17e: {  	p0 =	sne.s32 s31, $0x0;
	s0 =	rddreg [dreg:$0x2]  }
0x17f: {  	s0 =	sadd.s32 @!p0 $0x100000, s0  }
0x180: {  	[sflag:s0] =	ssyncadd.tile.s32 @!p0 $0x1;
	_ =	shalt  }
.Lfunc_end2:
_tile_overlayer_lowered:
.L_overlay_start_2:
0x181: {  	(tag) =	ssettag $0x2  }
0x182: {  	s0 =	rddreg [dreg:$0x0];
	s2 =	stileid.u32  }
0x183: {  	s1 =	rddreg [dreg:$0x1];
	p0 =	sne.s32 s2, $0x0  }
0x184: {  	s3 =	rddreg [dreg:$0x2];
	[bflag:$0x3] =	sbarrier.arrive $0xFFFF;
	s2 =	simm.s32 @!p0 $0x1C05  }
0x185: {  	[timem:s3], [sflag:s2] =	dma.local @!p0 [hbm:s0], s1  }
0x186: {  	s0 =	simm.s32 @!p0 $0x5  }
0x187: {  	_ =	swait.ge @!p0 [sflag:s0], s1  }
0x188: {  	s1 =	ssub.s32 @!p0 $0x0, s1;
	[sflag:s0] =	ssyncset.done @!p0 $0x0  }
0x189: {  	[sflag:s0] =	ssyncadd.s32 @!p0 s1  }
0x18a: {  	[bflag:$0x3] =	sbarrier.arrive $0xFFFF  }
0x18b: {  	_ =	shalt  }

</sc_bundles>
